<compile_context>
chip_gen: v7x
topology: tpu7x:2x2x1
jax: 0.10.2.dev20260603
libtpu: 0.0.44.dev20260713+nightly
codegen_flags: <defaults>
</compile_context>

<pallas_src>
import functools

import jax
import jax.numpy as jnp
from jax import lax
from jax.experimental import pallas as pl
from jax.experimental.pallas import tpu as pltpu
from jax.experimental.pallas import tpu_sc as plsc

_SC_CORES = 2
_SC_SUBCORES = 16
_SC_WORKERS = _SC_CORES * _SC_SUBCORES

_BLK = 32


def _make_sc_row_gather(T_rows, D, R):
    per_w = T_rows // _SC_WORKERS
    n_chunks = per_w // R
    mesh = plsc.VectorSubcoreMesh(core_axis_name="c", subcore_axis_name="s")

    @functools.partial(
        pl.kernel,
        out_type=jax.ShapeDtypeStruct((T_rows, D), jnp.float32),
        mesh=mesh,
        scratch_types=[
            pltpu.VMEM((R,), jnp.int32),
            pltpu.VMEM((R, D), jnp.float32),
            pltpu.SemaphoreType.DMA,
        ],
    )
    def gather_kernel(src_hbm, idx_hbm, out_hbm, idx_v, rows_v, sem):
        wid = lax.axis_index("s") * _SC_CORES + lax.axis_index("c")
        for c in range(n_chunks):
            base = wid * per_w + c * R
            pltpu.sync_copy(idx_hbm.at[pl.ds(base, R)], idx_v)
            pltpu.async_copy(src_hbm.at[idx_v], rows_v, sem).wait()
            pltpu.sync_copy(rows_v, out_hbm.at[pl.ds(base, R)])

    return gather_kernel


def _make_sc_row_and_scalar_gather(T_rows, D, R):
    per_w = T_rows // _SC_WORKERS
    n_chunks = per_w // R
    lanes = 128
    mesh = plsc.VectorSubcoreMesh(core_axis_name="c", subcore_axis_name="s")

    @functools.partial(
        pl.kernel,
        out_type=(
            jax.ShapeDtypeStruct((T_rows, D), jnp.float32),
            jax.ShapeDtypeStruct((T_rows, lanes), jnp.float32),
        ),
        mesh=mesh,
        scratch_types=[
            pltpu.VMEM((R,), jnp.int32),
            pltpu.VMEM((R, D), jnp.float32),
            pltpu.VMEM((R, lanes), jnp.float32),
            pltpu.SemaphoreType.DMA,
            pltpu.SemaphoreType.DMA,
        ],
    )
    def gather_kernel(src_hbm, idx_hbm, svec_hbm, rows_out, s_out,
                      idx_v, rows_v, sg_v, sem, sem2):
        wid = lax.axis_index("s") * _SC_CORES + lax.axis_index("c")
        for c in range(n_chunks):
            base = wid * per_w + c * R
            pltpu.sync_copy(idx_hbm.at[pl.ds(base, R)], idx_v)
            cp = pltpu.async_copy(src_hbm.at[idx_v], rows_v, sem)
            cp2 = pltpu.async_copy(svec_hbm.at[idx_v], sg_v, sem2)
            cp.wait()
            cp2.wait()
            pltpu.sync_copy(rows_v, rows_out.at[pl.ds(base, R)])
            pltpu.sync_copy(sg_v, s_out.at[pl.ds(base, R)])

    return gather_kernel


def _ragged_matmul_body(off_r, xs_ref, w_ref, ws_ref, o_ref):
    e = pl.program_id(0)
    start = off_r[e]
    end = off_r[e + 1]
    blk0 = start // _BLK
    n_chunks = (end + _BLK - 1) // _BLK - blk0

    def chunk(j, carry):
        s0 = (blk0 + j) * _BLK
        y = jnp.dot(
            xs_ref[pl.ds(s0, _BLK), :], w_ref[0],
            preferred_element_type=jnp.float32,
        )
        y = y * ws_ref[pl.ds(s0, _BLK), :]
        r = s0 + lax.broadcasted_iota(jnp.int32, (_BLK, 1), 0)
        mask = (r >= start) & (r < end)
        o_ref[pl.ds(s0, _BLK), :] = jnp.where(mask, y, o_ref[pl.ds(s0, _BLK), :])
        return carry

    lax.fori_loop(0, n_chunks, chunk, 0)


def _ragged_matmul(xs, W, ws, offsets_ext):
    T, K = xs.shape
    E, _, H = W.shape
    grid_spec = pltpu.PrefetchScalarGridSpec(
        num_scalar_prefetch=1,
        grid=(E,),
        in_specs=[
            pl.BlockSpec((T, K), lambda e, off: (0, 0)),
            pl.BlockSpec((1, K, H), lambda e, off: (e, 0, 0)),
            pl.BlockSpec((T, 1), lambda e, off: (0, 0)),
        ],
        out_specs=pl.BlockSpec((T, H), lambda e, off: (0, 0)),
    )
    return pl.pallas_call(
        _ragged_matmul_body,
        grid_spec=grid_spec,
        out_shape=jax.ShapeDtypeStruct((T, H), jnp.float32),
    )(offsets_ext, xs, W, ws)


def kernel(intermediate_states, down_weight, full_topk_ids, full_topk_weight):
    x = intermediate_states
    W = down_weight
    T, K = x.shape
    E, _, H = W.shape

    flat_ids = full_topk_ids.reshape(T).astype(jnp.int32)
    order = jnp.argsort(flat_ids).astype(jnp.int32)
    cmp = flat_ids[None, :] < jnp.arange(1, E + 1, dtype=jnp.int32)[:, None]
    offsets_ext = jnp.concatenate(
        [jnp.zeros((1,), jnp.int32), cmp.sum(axis=1).astype(jnp.int32)]
    )
    inv_order = (
        jnp.zeros((T,), jnp.int32)
        .at[order]
        .set(jnp.arange(T, dtype=jnp.int32))
    )

    w16 = jnp.broadcast_to(
        full_topk_weight.astype(jnp.float32).reshape(T, 1), (T, 128)
    )
    xs, ws16 = _make_sc_row_and_scalar_gather(T, K, 64)(x, order, w16)
    ys = _ragged_matmul(xs, W, ws16[:, :1], offsets_ext)
    out = _make_sc_row_gather(T, H, 32)(ys, inv_order)
    return out

# --- scband reference (transcript-rebuilt; emitter-appended) ---
"""Pipeline reference for scband-mo-ereduce-rstensor-parallel-36816459661328 (READ-ONLY COPY).

The authoritative reference and input builder live on the scoring server;
editing this copy changes nothing except your own understanding.
"""

import jax, jax.numpy as jnp
import numpy as np


def setup_inputs(seed: int = 0) -> dict:
    key = jax.random.key(seed)
    k1, k2, k3, k4 = jax.random.split(key, 4)
    intermediate_states = jax.random.normal(k1, (2048, 1024), dtype=jnp.float32)
    down_weight = jax.random.normal(k2, (64, 1024, 2048), dtype=jnp.float32) * 0.02
    full_topk_ids = jax.random.randint(k3, (2048, 1), 0, 64)
    full_topk_weight = jax.random.uniform(k4, (2048, 1), dtype=jnp.float32)
    return {
        "intermediate_states": intermediate_states,
        "down_weight": down_weight,
        "full_topk_ids": full_topk_ids,
        "full_topk_weight": full_topk_weight,
    }


def reference(intermediate_states, down_weight, full_topk_ids, full_topk_weight):
    # Grouped-GEMM MoE 'down' projection followed by topk-weighted reduce.
    # (Reduce-scatter across ranks is an identity with world_size=1.)
    T, topk = full_topk_ids.shape
    E = down_weight.shape[0]
    H = down_weight.shape[-1]
    flat_ids = full_topk_ids.reshape(-1)
    out_flat = jnp.zeros((T * topk, H), dtype=intermediate_states.dtype)
    for e in range(E):
        oe = intermediate_states @ down_weight[e]  # per-expert down projection
        mask = (flat_ids == e)[:, None]
        out_flat = jnp.where(mask, oe, out_flat)
    out = (out_flat.reshape(T, topk, H) * full_topk_weight[:, :, None]).sum(axis=1)
    return out

if __name__ == "__main__":
    import jax
    _d = setup_inputs()
    print(jax.jit(kernel)(*tuple(_d.values())))

</pallas_src>

<mosaic_0001>
#map = affine_map<(d0, d1) -> (0, 0)>
#map1 = affine_map<(d0, d1) -> (0)>
module attributes {stable_mosaic.version = 14 : i64} {
  func.func @gather_kernel(%arg0: i32, %arg1: i32, %arg2: memref<2048x2048xf32, #tpu.memory_space<hbm>>, %arg3: memref<2048xi32, #tpu.memory_space<hbm>>, %arg4: memref<2048x2048xf32, #tpu.memory_space<hbm>>, %arg5: memref<32xi32, #tpu.memory_space<vmem>>, %arg6: memref<32x2048xf32, #tpu.memory_space<vmem>>, %arg7: memref<!tpu.dma_semaphore, #tpu.memory_space<semaphore_mem>>) attributes {dimension_semantics = [#tpu.dimension_semantics<core_parallel>, #tpu.dimension_semantics<subcore_parallel>], iteration_bounds = array<i64: 2, 16>, scalar_prefetch = 0 : i64, scratch_operands = 3 : i64, tpu.core_type = #tpu.core_type<sc_vector_subcore>, window_params = [{transform_indices = #map}, {transform_indices = #map1}, {transform_indices = #map}]} {
    %mul3A = arith.constant 2 : i32
    %mul3A_0 = arith.muli %arg1, %mul3A : i32
    %add3A = arith.addi %mul3A_0, %arg0 : i32
    %mul3A_1 = arith.constant 64 : i32
    %mul3A_2 = arith.muli %add3A, %mul3A_1 : i32
    %add3A_3 = arith.constant 0 : i32
    %add3A_4 = arith.addi %mul3A_2, %add3A_3 : i32
    "tpu.region"() ({
      %run_scoped3A = tpu.sem_alloc : memref<!tpu.dma_semaphore, #tpu.memory_space<semaphore_mem>>
      %dma_start3A_19 = tpu.memref_slice %arg3[%add3A_4] : memref<2048xi32, #tpu.memory_space<hbm>> -> memref<32xi32, #tpu.memory_space<hbm>>
      %dma_start3A_20 = tpu.memref_slice %arg3[%add3A_4] : memref<2048xi32, #tpu.memory_space<hbm>> -> memref<32xi32, #tpu.memory_space<hbm>>
      tpu.enqueue_dma source(%dma_start3A_20 : memref<32xi32, #tpu.memory_space<hbm>>) target(%arg5 : memref<32xi32, #tpu.memory_space<vmem>>) target_semaphore(%run_scoped3A : memref<!tpu.dma_semaphore, #tpu.memory_space<semaphore_mem>>)
      %dma_wait3A_21 = tpu.memref_slice %arg3[%add3A_4] : memref<2048xi32, #tpu.memory_space<hbm>> -> memref<32xi32, #tpu.memory_space<hbm>>
      %dma_wait3A_22 = tpu.memref_slice %arg3[%add3A_4] : memref<2048xi32, #tpu.memory_space<hbm>> -> memref<32xi32, #tpu.memory_space<hbm>>
      tpu.wait_dma2 semaphore(%run_scoped3A : memref<!tpu.dma_semaphore, #tpu.memory_space<semaphore_mem>>) src(%dma_wait3A_22 : memref<32xi32, #tpu.memory_space<hbm>>) dst(%arg5 : memref<32xi32, #tpu.memory_space<vmem>>)
      tpu.yield
    }) : () -> ()
    %dma_start3A = arith.constant 0 : i32
    %dma_start3A_5 = arith.constant 0 : i32
    %dma_start3A_6 = tpu.memref_slice %arg2[%dma_start3A, %dma_start3A_5] : memref<2048x2048xf32, #tpu.memory_space<hbm>> -> memref<2048x2048xf32, #tpu.memory_space<hbm>>
    tpu.enqueue_indirect_dma source(%dma_start3A_6 : memref<2048x2048xf32, #tpu.memory_space<hbm>>) target(%arg6 : memref<32x2048xf32, #tpu.memory_space<vmem>>) offsets(%arg5 : memref<32xi32, #tpu.memory_space<vmem>>) semaphore(%arg7 : memref<!tpu.dma_semaphore, #tpu.memory_space<semaphore_mem>>)
    %dma_wait3A = arith.constant 0 : i32
    %dma_wait3A_7 = arith.constant 0 : i32
    %dma_wait3A_8 = tpu.memref_slice %arg2[%dma_wait3A, %dma_wait3A_7] : memref<2048x2048xf32, #tpu.memory_space<hbm>> -> memref<2048x2048xf32, #tpu.memory_space<hbm>>
    tpu.wait_indirect_dma semaphore(%arg7 : memref<!tpu.dma_semaphore, #tpu.memory_space<semaphore_mem>>) src(%dma_wait3A_8 : memref<2048x2048xf32, #tpu.memory_space<hbm>>) dst(%arg6 : memref<32x2048xf32, #tpu.memory_space<vmem>>)
    "tpu.region"() ({
      %run_scoped3A = tpu.sem_alloc : memref<!tpu.dma_semaphore, #tpu.memory_space<semaphore_mem>>
      %dma_start3A_19 = arith.constant 0 : i32
      %dma_start3A_20 = tpu.memref_slice %arg4[%add3A_4, %dma_start3A_19] : memref<2048x2048xf32, #tpu.memory_space<hbm>> -> memref<32x2048xf32, #tpu.memory_space<hbm>>
      %dma_start3A_21 = arith.constant 0 : i32
      %dma_start3A_22 = tpu.memref_slice %arg4[%add3A_4, %dma_start3A_21] : memref<2048x2048xf32, #tpu.memory_space<hbm>> -> memref<32x2048xf32, #tpu.memory_space<hbm>>
      tpu.enqueue_dma source(%arg6 : memref<32x2048xf32, #tpu.memory_space<vmem>>) target(%dma_start3A_22 : memref<32x2048xf32, #tpu.memory_space<hbm>>) target_semaphore(%run_scoped3A : memref<!tpu.dma_semaphore, #tpu.memory_space<semaphore_mem>>)
      %dma_wait3A_23 = arith.constant 0 : i32
      %dma_wait3A_24 = tpu.memref_slice %arg4[%add3A_4, %dma_wait3A_23] : memref<2048x2048xf32, #tpu.memory_space<hbm>> -> memref<32x2048xf32, #tpu.memory_space<hbm>>
      %dma_wait3A_25 = arith.constant 0 : i32
      %dma_wait3A_26 = tpu.memref_slice %arg4[%add3A_4, %dma_wait3A_25] : memref<2048x2048xf32, #tpu.memory_space<hbm>> -> memref<32x2048xf32, #tpu.memory_space<hbm>>
      tpu.wait_dma2 semaphore(%run_scoped3A : memref<!tpu.dma_semaphore, #tpu.memory_space<semaphore_mem>>) src(%arg6 : memref<32x2048xf32, #tpu.memory_space<vmem>>) dst(%dma_wait3A_26 : memref<32x2048xf32, #tpu.memory_space<hbm>>)
      tpu.yield
    }) : () -> ()
    %mul3A_9 = arith.constant 64 : i32
    %mul3A_10 = arith.muli %add3A, %mul3A_9 : i32
    %add3A_11 = arith.constant 32 : i32
    %add3A_12 = arith.addi %mul3A_10, %add3A_11 : i32
    "tpu.region"() ({
      %run_scoped3A = tpu.sem_alloc : memref<!tpu.dma_semaphore, #tpu.memory_space<semaphore_mem>>
      %dma_start3A_19 = tpu.memref_slice %arg3[%add3A_12] : memref<2048xi32, #tpu.memory_space<hbm>> -> memref<32xi32, #tpu.memory_space<hbm>>
      %dma_start3A_20 = tpu.memref_slice %arg3[%add3A_12] : memref<2048xi32, #tpu.memory_space<hbm>> -> memref<32xi32, #tpu.memory_space<hbm>>
      tpu.enqueue_dma source(%dma_start3A_20 : memref<32xi32, #tpu.memory_space<hbm>>) target(%arg5 : memref<32xi32, #tpu.memory_space<vmem>>) target_semaphore(%run_scoped3A : memref<!tpu.dma_semaphore, #tpu.memory_space<semaphore_mem>>)
      %dma_wait3A_21 = tpu.memref_slice %arg3[%add3A_12] : memref<2048xi32, #tpu.memory_space<hbm>> -> memref<32xi32, #tpu.memory_space<hbm>>
      %dma_wait3A_22 = tpu.memref_slice %arg3[%add3A_12] : memref<2048xi32, #tpu.memory_space<hbm>> -> memref<32xi32, #tpu.memory_space<hbm>>
      tpu.wait_dma2 semaphore(%run_scoped3A : memref<!tpu.dma_semaphore, #tpu.memory_space<semaphore_mem>>) src(%dma_wait3A_22 : memref<32xi32, #tpu.memory_space<hbm>>) dst(%arg5 : memref<32xi32, #tpu.memory_space<vmem>>)
      tpu.yield
    }) : () -> ()
    %dma_start3A_13 = arith.constant 0 : i32
    %dma_start3A_14 = arith.constant 0 : i32
    %dma_start3A_15 = tpu.memref_slice %arg2[%dma_start3A_13, %dma_start3A_14] : memref<2048x2048xf32, #tpu.memory_space<hbm>> -> memref<2048x2048xf32, #tpu.memory_space<hbm>>
    tpu.enqueue_indirect_dma source(%dma_start3A_15 : memref<2048x2048xf32, #tpu.memory_space<hbm>>) target(%arg6 : memref<32x2048xf32, #tpu.memory_space<vmem>>) offsets(%arg5 : memref<32xi32, #tpu.memory_space<vmem>>) semaphore(%arg7 : memref<!tpu.dma_semaphore, #tpu.memory_space<semaphore_mem>>)
    %dma_wait3A_16 = arith.constant 0 : i32
    %dma_wait3A_17 = arith.constant 0 : i32
    %dma_wait3A_18 = tpu.memref_slice %arg2[%dma_wait3A_16, %dma_wait3A_17] : memref<2048x2048xf32, #tpu.memory_space<hbm>> -> memref<2048x2048xf32, #tpu.memory_space<hbm>>
    tpu.wait_indirect_dma semaphore(%arg7 : memref<!tpu.dma_semaphore, #tpu.memory_space<semaphore_mem>>) src(%dma_wait3A_18 : memref<2048x2048xf32, #tpu.memory_space<hbm>>) dst(%arg6 : memref<32x2048xf32, #tpu.memory_space<vmem>>)
    "tpu.region"() ({
      %run_scoped3A = tpu.sem_alloc : memref<!tpu.dma_semaphore, #tpu.memory_space<semaphore_mem>>
      %dma_start3A_19 = arith.constant 0 : i32
      %dma_start3A_20 = tpu.memref_slice %arg4[%add3A_12, %dma_start3A_19] : memref<2048x2048xf32, #tpu.memory_space<hbm>> -> memref<32x2048xf32, #tpu.memory_space<hbm>>
      %dma_start3A_21 = arith.constant 0 : i32
      %dma_start3A_22 = tpu.memref_slice %arg4[%add3A_12, %dma_start3A_21] : memref<2048x2048xf32, #tpu.memory_space<hbm>> -> memref<32x2048xf32, #tpu.memory_space<hbm>>
      tpu.enqueue_dma source(%arg6 : memref<32x2048xf32, #tpu.memory_space<vmem>>) target(%dma_start3A_22 : memref<32x2048xf32, #tpu.memory_space<hbm>>) target_semaphore(%run_scoped3A : memref<!tpu.dma_semaphore, #tpu.memory_space<semaphore_mem>>)
      %dma_wait3A_23 = arith.constant 0 : i32
      %dma_wait3A_24 = tpu.memref_slice %arg4[%add3A_12, %dma_wait3A_23] : memref<2048x2048xf32, #tpu.memory_space<hbm>> -> memref<32x2048xf32, #tpu.memory_space<hbm>>
      %dma_wait3A_25 = arith.constant 0 : i32
      %dma_wait3A_26 = tpu.memref_slice %arg4[%add3A_12, %dma_wait3A_25] : memref<2048x2048xf32, #tpu.memory_space<hbm>> -> memref<32x2048xf32, #tpu.memory_space<hbm>>
      tpu.wait_dma2 semaphore(%run_scoped3A : memref<!tpu.dma_semaphore, #tpu.memory_space<semaphore_mem>>) src(%arg6 : memref<32x2048xf32, #tpu.memory_space<vmem>>) dst(%dma_wait3A_26 : memref<32x2048xf32, #tpu.memory_space<hbm>>)
      tpu.yield
    }) : () -> ()
    return
  }
}

#map = affine_map<(d0, d1) -> (0, 0)>
#map1 = affine_map<(d0, d1) -> (0)>
module attributes {stable_mosaic.version = 14 : i64} {
  func.func @gather_kernel(%arg0: i32, %arg1: i32, %arg2: memref<2048x1024xf32, #tpu.memory_space<hbm>>, %arg3: memref<2048xi32, #tpu.memory_space<hbm>>, %arg4: memref<2048x128xf32, #tpu.memory_space<hbm>>, %arg5: memref<2048x1024xf32, #tpu.memory_space<hbm>>, %arg6: memref<2048x128xf32, #tpu.memory_space<hbm>>, %arg7: memref<64xi32, #tpu.memory_space<vmem>>, %arg8: memref<64x1024xf32, #tpu.memory_space<vmem>>, %arg9: memref<64x128xf32, #tpu.memory_space<vmem>>, %arg10: memref<!tpu.dma_semaphore, #tpu.memory_space<semaphore_mem>>, %arg11: memref<!tpu.dma_semaphore, #tpu.memory_space<semaphore_mem>>) attributes {dimension_semantics = [#tpu.dimension_semantics<core_parallel>, #tpu.dimension_semantics<subcore_parallel>], iteration_bounds = array<i64: 2, 16>, scalar_prefetch = 0 : i64, scratch_operands = 5 : i64, tpu.core_type = #tpu.core_type<sc_vector_subcore>, window_params = [{transform_indices = #map}, {transform_indices = #map1}, {transform_indices = #map}, {transform_indices = #map}, {transform_indices = #map}]} {
    %mul3A = arith.constant 2 : i32
    %mul3A_0 = arith.muli %arg1, %mul3A : i32
    %add3A = arith.addi %mul3A_0, %arg0 : i32
    %mul3A_1 = arith.constant 64 : i32
    %mul3A_2 = arith.muli %add3A, %mul3A_1 : i32
    %add3A_3 = arith.constant 0 : i32
    %add3A_4 = arith.addi %mul3A_2, %add3A_3 : i32
    "tpu.region"() ({
      %run_scoped3A = tpu.sem_alloc : memref<!tpu.dma_semaphore, #tpu.memory_space<semaphore_mem>>
      %dma_start3A_15 = tpu.memref_slice %arg3[%add3A_4] : memref<2048xi32, #tpu.memory_space<hbm>> -> memref<64xi32, #tpu.memory_space<hbm>>
      %dma_start3A_16 = tpu.memref_slice %arg3[%add3A_4] : memref<2048xi32, #tpu.memory_space<hbm>> -> memref<64xi32, #tpu.memory_space<hbm>>
      tpu.enqueue_dma source(%dma_start3A_16 : memref<64xi32, #tpu.memory_space<hbm>>) target(%arg7 : memref<64xi32, #tpu.memory_space<vmem>>) target_semaphore(%run_scoped3A : memref<!tpu.dma_semaphore, #tpu.memory_space<semaphore_mem>>)
      %dma_wait3A_17 = tpu.memref_slice %arg3[%add3A_4] : memref<2048xi32, #tpu.memory_space<hbm>> -> memref<64xi32, #tpu.memory_space<hbm>>
      %dma_wait3A_18 = tpu.memref_slice %arg3[%add3A_4] : memref<2048xi32, #tpu.memory_space<hbm>> -> memref<64xi32, #tpu.memory_space<hbm>>
      tpu.wait_dma2 semaphore(%run_scoped3A : memref<!tpu.dma_semaphore, #tpu.memory_space<semaphore_mem>>) src(%dma_wait3A_18 : memref<64xi32, #tpu.memory_space<hbm>>) dst(%arg7 : memref<64xi32, #tpu.memory_space<vmem>>)
      tpu.yield
    }) : () -> ()
    %dma_start3A = arith.constant 0 : i32
    %dma_start3A_5 = arith.constant 0 : i32
    %dma_start3A_6 = tpu.memref_slice %arg2[%dma_start3A, %dma_start3A_5] : memref<2048x1024xf32, #tpu.memory_space<hbm>> -> memref<2048x1024xf32, #tpu.memory_space<hbm>>
    tpu.enqueue_indirect_dma source(%dma_start3A_6 : memref<2048x1024xf32, #tpu.memory_space<hbm>>) target(%arg8 : memref<64x1024xf32, #tpu.memory_space<vmem>>) offsets(%arg7 : memref<64xi32, #tpu.memory_space<vmem>>) semaphore(%arg10 : memref<!tpu.dma_semaphore, #tpu.memory_space<semaphore_mem>>)
    %dma_start3A_7 = arith.constant 0 : i32
    %dma_start3A_8 = arith.constant 0 : i32
    %dma_start3A_9 = tpu.memref_slice %arg4[%dma_start3A_7, %dma_start3A_8] : memref<2048x128xf32, #tpu.memory_space<hbm>> -> memref<2048x128xf32, #tpu.memory_space<hbm>>
    tpu.enqueue_indirect_dma source(%dma_start3A_9 : memref<2048x128xf32, #tpu.memory_space<hbm>>) target(%arg9 : memref<64x128xf32, #tpu.memory_space<vmem>>) offsets(%arg7 : memref<64xi32, #tpu.memory_space<vmem>>) semaphore(%arg11 : memref<!tpu.dma_semaphore, #tpu.memory_space<semaphore_mem>>)
    %dma_wait3A = arith.constant 0 : i32
    %dma_wait3A_10 = arith.constant 0 : i32
    %dma_wait3A_11 = tpu.memref_slice %arg2[%dma_wait3A, %dma_wait3A_10] : memref<2048x1024xf32, #tpu.memory_space<hbm>> -> memref<2048x1024xf32, #tpu.memory_space<hbm>>
    tpu.wait_indirect_dma semaphore(%arg10 : memref<!tpu.dma_semaphore, #tpu.memory_space<semaphore_mem>>) src(%dma_wait3A_11 : memref<2048x1024xf32, #tpu.memory_space<hbm>>) dst(%arg8 : memref<64x1024xf32, #tpu.memory_space<vmem>>)
    %dma_wait3A_12 = arith.constant 0 : i32
    %dma_wait3A_13 = arith.constant 0 : i32
    %dma_wait3A_14 = tpu.memref_slice %arg4[%dma_wait3A_12, %dma_wait3A_13] : memref<2048x128xf32, #tpu.memory_space<hbm>> -> memref<2048x128xf32, #tpu.memory_space<hbm>>
    tpu.wait_indirect_dma semaphore(%arg11 : memref<!tpu.dma_semaphore, #tpu.memory_space<semaphore_mem>>) src(%dma_wait3A_14 : memref<2048x128xf32, #tpu.memory_space<hbm>>) dst(%arg9 : memref<64x128xf32, #tpu.memory_space<vmem>>)
    "tpu.region"() ({
      %run_scoped3A = tpu.sem_alloc : memref<!tpu.dma_semaphore, #tpu.memory_space<semaphore_mem>>
      %dma_start3A_15 = arith.constant 0 : i32
      %dma_start3A_16 = tpu.memref_slice %arg5[%add3A_4, %dma_start3A_15] : memref<2048x1024xf32, #tpu.memory_space<hbm>> -> memref<64x1024xf32, #tpu.memory_space<hbm>>
      %dma_start3A_17 = arith.constant 0 : i32
      %dma_start3A_18 = tpu.memref_slice %arg5[%add3A_4, %dma_start3A_17] : memref<2048x1024xf32, #tpu.memory_space<hbm>> -> memref<64x1024xf32, #tpu.memory_space<hbm>>
      tpu.enqueue_dma source(%arg8 : memref<64x1024xf32, #tpu.memory_space<vmem>>) target(%dma_start3A_18 : memref<64x1024xf32, #tpu.memory_space<hbm>>) target_semaphore(%run_scoped3A : memref<!tpu.dma_semaphore, #tpu.memory_space<semaphore_mem>>)
      %dma_wait3A_19 = arith.constant 0 : i32
      %dma_wait3A_20 = tpu.memref_slice %arg5[%add3A_4, %dma_wait3A_19] : memref<2048x1024xf32, #tpu.memory_space<hbm>> -> memref<64x1024xf32, #tpu.memory_space<hbm>>
      %dma_wait3A_21 = arith.constant 0 : i32
      %dma_wait3A_22 = tpu.memref_slice %arg5[%add3A_4, %dma_wait3A_21] : memref<2048x1024xf32, #tpu.memory_space<hbm>> -> memref<64x1024xf32, #tpu.memory_space<hbm>>
      tpu.wait_dma2 semaphore(%run_scoped3A : memref<!tpu.dma_semaphore, #tpu.memory_space<semaphore_mem>>) src(%arg8 : memref<64x1024xf32, #tpu.memory_space<vmem>>) dst(%dma_wait3A_22 : memref<64x1024xf32, #tpu.memory_space<hbm>>)
      tpu.yield
    }) : () -> ()
    "tpu.region"() ({
      %run_scoped3A = tpu.sem_alloc : memref<!tpu.dma_semaphore, #tpu.memory_space<semaphore_mem>>
      %dma_start3A_15 = arith.constant 0 : i32
      %dma_start3A_16 = tpu.memref_slice %arg6[%add3A_4, %dma_start3A_15] : memref<2048x128xf32, #tpu.memory_space<hbm>> -> memref<64x128xf32, #tpu.memory_space<hbm>>
      %dma_start3A_17 = arith.constant 0 : i32
      %dma_start3A_18 = tpu.memref_slice %arg6[%add3A_4, %dma_start3A_17] : memref<2048x128xf32, #tpu.memory_space<hbm>> -> memref<64x128xf32, #tpu.memory_space<hbm>>
      tpu.enqueue_dma source(%arg9 : memref<64x128xf32, #tpu.memory_space<vmem>>) target(%dma_start3A_18 : memref<64x128xf32, #tpu.memory_space<hbm>>) target_semaphore(%run_scoped3A : memref<!tpu.dma_semaphore, #tpu.memory_space<semaphore_mem>>)
      %dma_wait3A_19 = arith.constant 0 : i32
      %dma_wait3A_20 = tpu.memref_slice %arg6[%add3A_4, %dma_wait3A_19] : memref<2048x128xf32, #tpu.memory_space<hbm>> -> memref<64x128xf32, #tpu.memory_space<hbm>>
      %dma_wait3A_21 = arith.constant 0 : i32
      %dma_wait3A_22 = tpu.memref_slice %arg6[%add3A_4, %dma_wait3A_21] : memref<2048x128xf32, #tpu.memory_space<hbm>> -> memref<64x128xf32, #tpu.memory_space<hbm>>
      tpu.wait_dma2 semaphore(%run_scoped3A : memref<!tpu.dma_semaphore, #tpu.memory_space<semaphore_mem>>) src(%arg9 : memref<64x128xf32, #tpu.memory_space<vmem>>) dst(%dma_wait3A_22 : memref<64x128xf32, #tpu.memory_space<hbm>>)
      tpu.yield
    }) : () -> ()
    return
  }
}

module attributes {stable_mosaic.version = 14 : i64} {
  func.func @_ragged_matmul_body(%arg0: i32, %arg1: memref<65xi32, #tpu.memory_space<smem>>, %arg2: memref<2048x1024xf32, #tpu.memory_space<vmem>>, %arg3: memref<1x1024x2048xf32, #tpu.memory_space<vmem>>, %arg4: memref<2048x1xf32, #tpu.memory_space<vmem>>, %arg5: memref<2048x2048xf32, #tpu.memory_space<vmem>>) attributes {dimension_semantics = [#tpu.dimension_semantics<arbitrary>], iteration_bounds = array<i64: 64>, scalar_prefetch = 1 : i64, scratch_operands = 0 : i64, tpu.core_type = #tpu.core_type<tc>, window_params = [{pipeline_mode = #tpu.pipeline_mode<synchronous>, transform_indices = @transform_0, window_bounds = array<i64: 2048, 1024>}, {transform_indices = @transform_1, window_bounds = array<i64: 1, 1024, 2048>}, {pipeline_mode = #tpu.pipeline_mode<synchronous>, transform_indices = @transform_2, window_bounds = array<i64: 2048, 1>}, {pipeline_mode = #tpu.pipeline_mode<synchronous>, transform_indices = @transform_3, window_bounds = array<i64: 2048, 2048>}]} {
    %get3A = arith.index_cast %arg0 : i32 to index
    %get3A_0 = memref.load %arg1[%get3A] : memref<65xi32, #tpu.memory_space<smem>>
    %add3A = arith.constant 1 : i32
    %add3A_1 = arith.addi %arg0, %add3A : i32
    %get3A_2 = arith.index_cast %add3A_1 : i32 to index
    %get3A_3 = memref.load %arg1[%get3A_2] : memref<65xi32, #tpu.memory_space<smem>>
    %jit3A = arith.constant 32 : i32
    %div3A = arith.divsi %get3A_0, %jit3A : i32
    %sign3A = arith.constant 0 : i32
    %sign3A_4 = arith.cmpi sgt, %get3A_0, %sign3A : i32
    %sign3A_5 = arith.extui %sign3A_4 : i1 to i32
    %sign3A_6 = arith.constant 0 : i32
    %sign3A_7 = arith.cmpi slt, %get3A_0, %sign3A_6 : i32
    %sign3A_8 = arith.extui %sign3A_7 : i1 to i32
    %sign3A_9 = arith.subi %sign3A_5, %sign3A_8 : i32
    %sign3A_10 = arith.constant 0 : i32
    %sign3A_11 = arith.cmpi sgt, %jit3A, %sign3A_10 : i32
    %sign3A_12 = arith.extui %sign3A_11 : i1 to i32
    %sign3A_13 = arith.constant 0 : i32
    %sign3A_14 = arith.cmpi slt, %jit3A, %sign3A_13 : i32
    %sign3A_15 = arith.extui %sign3A_14 : i1 to i32
    %sign3A_16 = arith.subi %sign3A_12, %sign3A_15 : i32
    %ne3A = arith.cmpi ne, %sign3A_9, %sign3A_16 : i32
    %rem3A = arith.remsi %get3A_0, %jit3A : i32
    %ne3A_17 = arith.constant 0 : i32
    %ne3A_18 = arith.cmpi ne, %rem3A, %ne3A_17 : i32
    %and3A = arith.andi %ne3A, %ne3A_18 : i1
    %sub3A = arith.constant 1 : i32
    %sub3A_19 = arith.subi %div3A, %sub3A : i32
    %select_n3A = arith.select %and3A, %sub3A_19, %div3A : i32
    %add3A_20 = arith.constant 32 : i32
    %add3A_21 = arith.addi %get3A_3, %add3A_20 : i32
    %sub3A_22 = arith.constant 1 : i32
    %sub3A_23 = arith.subi %add3A_21, %sub3A_22 : i32
    %jit3A_24 = arith.constant 32 : i32
    %div3A_25 = arith.divsi %sub3A_23, %jit3A_24 : i32
    %sign3A_26 = arith.constant 0 : i32
    %sign3A_27 = arith.cmpi sgt, %sub3A_23, %sign3A_26 : i32
    %sign3A_28 = arith.extui %sign3A_27 : i1 to i32
    %sign3A_29 = arith.constant 0 : i32
    %sign3A_30 = arith.cmpi slt, %sub3A_23, %sign3A_29 : i32
    %sign3A_31 = arith.extui %sign3A_30 : i1 to i32
    %sign3A_32 = arith.subi %sign3A_28, %sign3A_31 : i32
    %sign3A_33 = arith.constant 0 : i32
    %sign3A_34 = arith.cmpi sgt, %jit3A_24, %sign3A_33 : i32
    %sign3A_35 = arith.extui %sign3A_34 : i1 to i32
    %sign3A_36 = arith.constant 0 : i32
    %sign3A_37 = arith.cmpi slt, %jit3A_24, %sign3A_36 : i32
    %sign3A_38 = arith.extui %sign3A_37 : i1 to i32
    %sign3A_39 = arith.subi %sign3A_35, %sign3A_38 : i32
    %ne3A_40 = arith.cmpi ne, %sign3A_32, %sign3A_39 : i32
    %rem3A_41 = arith.remsi %sub3A_23, %jit3A_24 : i32
    %ne3A_42 = arith.constant 0 : i32
    %ne3A_43 = arith.cmpi ne, %rem3A_41, %ne3A_42 : i32
    %and3A_44 = arith.andi %ne3A_40, %ne3A_43 : i1
    %sub3A_45 = arith.constant 1 : i32
    %sub3A_46 = arith.subi %div3A_25, %sub3A_45 : i32
    %select_n3A_47 = arith.select %and3A_44, %sub3A_46, %div3A_25 : i32
    %sub3A_48 = arith.subi %select_n3A_47, %select_n3A : i32
    %while3A = arith.constant 0 : i32
    %while3A_49 = arith.constant 0 : i32
    %while3A_50 = arith.subi %sub3A_48, %while3A_49 : i32
    %while3A_51 = arith.addi %while3A_49, %while3A_50 : i32
    %while3A_52 = arith.constant 1 : i32
    %while3A_53 = arith.divsi %while3A_50, %while3A_52 : i32
    %while3A_54 = arith.muli %while3A_53, %while3A_52 : i32
    %while3A_55 = arith.addi %while3A_49, %while3A_54 : i32
    %while3A_56 = arith.constant 1 : i32
    scf.for %while3A_58 = %while3A_49 to %while3A_55 step %while3A_56  : i32 {
      %add3A_59 = arith.addi %select_n3A, %while3A_58 : i32
      %mul3A = arith.constant 32 : i32
      %mul3A_60 = arith.muli %add3A_59, %mul3A : i32
      %get3A_61 = arith.index_cast %mul3A_60 : i32 to index
      %get3A_62 = arith.constant 0 : index
      %get3A_63 = vector.load %arg2[%get3A_61, %get3A_62] : memref<2048x1024xf32, #tpu.memory_space<vmem>>, vector<32x1024xf32>
      %get3A_64 = arith.constant 0 : index
      %get3A_65 = arith.constant 0 : index
      %get3A_66 = arith.constant 0 : index
      %get3A_67 = vector.load %arg3[%get3A_64, %get3A_65, %get3A_66] : memref<1x1024x2048xf32, #tpu.memory_space<vmem>>, vector<1x1024x2048xf32>
      %get3A_68 = vector.shape_cast %get3A_67 : vector<1x1024x2048xf32> to vector<1024x2048xf32>
      %dot_general3A = arith.constant dense<0.000000e+00> : vector<32x2048xf32>
      %dot_general3A_69 = tpu.matmul %get3A_63, %get3A_68, %dot_general3A {dimension_numbers = #tpu.dot_dimension_numbers<[1], [0], [0], [1], [0, 0, 1, 1], [], []>, transpose_lhs_hint = false} : vector<32x1024xf32>, vector<1024x2048xf32>, vector<32x2048xf32> -> vector<32x2048xf32>
      %get3A_70 = arith.index_cast %mul3A_60 : i32 to index
      %get3A_71 = arith.constant 0 : index
      %get3A_72 = vector.load %arg4[%get3A_70, %get3A_71] : memref<2048x1xf32, #tpu.memory_space<vmem>>, vector<32x1xf32>
      %mul3A_73 = vector.broadcast %get3A_72 : vector<32x1xf32> to vector<32x2048xf32>
      %mul3A_74 = arith.mulf %dot_general3A_69, %mul3A_73 : vector<32x2048xf32>
      %iota3A = tpu.iota {dimensions = array<i32: 0>} : vector<32x1xi32>
      %add3A_75 = vector.broadcast %mul3A_60 : i32 to vector<32x1xi32>
      %add3A_76 = arith.addi %add3A_75, %iota3A : vector<32x1xi32>
      %ge3A = vector.broadcast %get3A_0 : i32 to vector<32x1xi32>
      %ge3A_77 = arith.cmpi sge, %add3A_76, %ge3A : vector<32x1xi32>
      %lt3A = vector.broadcast %get3A_3 : i32 to vector<32x1xi32>
      %lt3A_78 = arith.cmpi slt, %add3A_76, %lt3A : vector<32x1xi32>
      %and3A_79 = arith.andi %ge3A_77, %lt3A_78 : vector<32x1xi1>
      %get3A_80 = arith.index_cast %mul3A_60 : i32 to index
      %get3A_81 = arith.constant 0 : index
      %get3A_82 = vector.load %arg5[%get3A_80, %get3A_81] : memref<2048x2048xf32, #tpu.memory_space<vmem>>, vector<32x2048xf32>
      %broadcast_in_dim3A = vector.shape_cast %and3A_79 : vector<32x1xi1> to vector<32x1xi1>
      %broadcast_in_dim3A_83 = vector.broadcast %broadcast_in_dim3A : vector<32x1xi1> to vector<32x2048xi1>
      %select_n3A_84 = arith.select %broadcast_in_dim3A_83, %mul3A_74, %get3A_82 : vector<32x2048xi1>, vector<32x2048xf32>
      %swap3A = arith.index_cast %mul3A_60 : i32 to index
      %swap3A_85 = arith.constant 0 : index
      %swap3A_86 = vector.load %arg5[%swap3A, %swap3A_85] : memref<2048x2048xf32, #tpu.memory_space<vmem>>, vector<32x2048xf32>
      tpu.vector_store %arg5[%swap3A, %swap3A_85], %select_n3A_84 {strides = array<i32>} : memref<2048x2048xf32, #tpu.memory_space<vmem>>, vector<32x2048xf32>,
    }
    %while3A_57 = arith.constant 1 : i32
    scf.for %while3A_58 = %while3A_55 to %while3A_51 step %while3A_57  : i32 {
      %add3A_59 = arith.addi %select_n3A, %while3A_58 : i32
      %mul3A = arith.constant 32 : i32
      %mul3A_60 = arith.muli %add3A_59, %mul3A : i32
      %get3A_61 = arith.index_cast %mul3A_60 : i32 to index
      %get3A_62 = arith.constant 0 : index
      %get3A_63 = vector.load %arg2[%get3A_61, %get3A_62] : memref<2048x1024xf32, #tpu.memory_space<vmem>>, vector<32x1024xf32>
      %get3A_64 = arith.constant 0 : index
      %get3A_65 = arith.constant 0 : index
      %get3A_66 = arith.constant 0 : index
      %get3A_67 = vector.load %arg3[%get3A_64, %get3A_65, %get3A_66] : memref<1x1024x2048xf32, #tpu.memory_space<vmem>>, vector<1x1024x2048xf32>
      %get3A_68 = vector.shape_cast %get3A_67 : vector<1x1024x2048xf32> to vector<1024x2048xf32>
      %dot_general3A = arith.constant dense<0.000000e+00> : vector<32x2048xf32>
      %dot_general3A_69 = tpu.matmul %get3A_63, %get3A_68, %dot_general3A {dimension_numbers = #tpu.dot_dimension_numbers<[1], [0], [0], [1], [0, 0, 1, 1], [], []>, transpose_lhs_hint = false} : vector<32x1024xf32>, vector<1024x2048xf32>, vector<32x2048xf32> -> vector<32x2048xf32>
      %get3A_70 = arith.index_cast %mul3A_60 : i32 to index
      %get3A_71 = arith.constant 0 : index
      %get3A_72 = vector.load %arg4[%get3A_70, %get3A_71] : memref<2048x1xf32, #tpu.memory_space<vmem>>, vector<32x1xf32>
      %mul3A_73 = vector.broadcast %get3A_72 : vector<32x1xf32> to vector<32x2048xf32>
      %mul3A_74 = arith.mulf %dot_general3A_69, %mul3A_73 : vector<32x2048xf32>
      %iota3A = tpu.iota {dimensions = array<i32: 0>} : vector<32x1xi32>
      %add3A_75 = vector.broadcast %mul3A_60 : i32 to vector<32x1xi32>
      %add3A_76 = arith.addi %add3A_75, %iota3A : vector<32x1xi32>
      %ge3A = vector.broadcast %get3A_0 : i32 to vector<32x1xi32>
      %ge3A_77 = arith.cmpi sge, %add3A_76, %ge3A : vector<32x1xi32>
      %lt3A = vector.broadcast %get3A_3 : i32 to vector<32x1xi32>
      %lt3A_78 = arith.cmpi slt, %add3A_76, %lt3A : vector<32x1xi32>
      %and3A_79 = arith.andi %ge3A_77, %lt3A_78 : vector<32x1xi1>
      %get3A_80 = arith.index_cast %mul3A_60 : i32 to index
      %get3A_81 = arith.constant 0 : index
      %get3A_82 = vector.load %arg5[%get3A_80, %get3A_81] : memref<2048x2048xf32, #tpu.memory_space<vmem>>, vector<32x2048xf32>
      %broadcast_in_dim3A = vector.shape_cast %and3A_79 : vector<32x1xi1> to vector<32x1xi1>
      %broadcast_in_dim3A_83 = vector.broadcast %broadcast_in_dim3A : vector<32x1xi1> to vector<32x2048xi1>
      %select_n3A_84 = arith.select %broadcast_in_dim3A_83, %mul3A_74, %get3A_82 : vector<32x2048xi1>, vector<32x2048xf32>
      %swap3A = arith.index_cast %mul3A_60 : i32 to index
      %swap3A_85 = arith.constant 0 : index
      %swap3A_86 = vector.load %arg5[%swap3A, %swap3A_85] : memref<2048x2048xf32, #tpu.memory_space<vmem>>, vector<32x2048xf32>
      tpu.vector_store %arg5[%swap3A, %swap3A_85], %select_n3A_84 {strides = array<i32>} : memref<2048x2048xf32, #tpu.memory_space<vmem>>, vector<32x2048xf32>,
    }
    return
  }
  func.func @transform_0(%arg0: i32, %arg1: memref<65xi32, #tpu.memory_space<smem>>) -> (i32, i32) {
    %c0_i32 = arith.constant 0 : i32
    %c0_i32_0 = arith.constant 0 : i32
    %c0_i32_1 = arith.constant 0 : i32
    return %c0_i32, %c0_i32_0 : i32, i32
  }
  func.func @transform_1(%arg0: i32, %arg1: memref<65xi32, #tpu.memory_space<smem>>) -> (i32, i32, i32) {
    %c0_i32 = arith.constant 0 : i32
    %c0_i32_0 = arith.constant 0 : i32
    %c0_i32_1 = arith.constant 0 : i32
    return %arg0, %c0_i32, %c0_i32_0 : i32, i32, i32
  }
  func.func @transform_2(%arg0: i32, %arg1: memref<65xi32, #tpu.memory_space<smem>>) -> (i32, i32) {
    %c0_i32 = arith.constant 0 : i32
    %c0_i32_0 = arith.constant 0 : i32
    %c0_i32_1 = arith.constant 0 : i32
    return %c0_i32, %c0_i32_0 : i32, i32
  }
  func.func @transform_3(%arg0: i32, %arg1: memref<65xi32, #tpu.memory_space<smem>>) -> (i32, i32) {
    %c0_i32 = arith.constant 0 : i32
    %c0_i32_0 = arith.constant 0 : i32
    %c0_i32_1 = arith.constant 0 : i32
    return %c0_i32, %c0_i32_0 : i32, i32
  }
}

</mosaic_0001>

<sc_bundles>
// kernel: kernel.5.cloned.1.call-start
scs
__scs_entry_jumppad:
0x0: {  	(pc) =	sbr.rel $0x88, $3  }
0x1: {  	(tag) =	ssettag $0x0;
	lr =	simm.s32 $0x1  }
0x2: {  	[smem:$0x3F9D] =	sst lr;
	_ =	strace $0xD0000000  }
0x3: {  	_ = 	snop  }
0x4: {  	_ = 	snop  }
0x5: {  	_ = 	snop  }
0x6: {  	_ = 	snop  }
0x7: {  	_ = 	snop  }
__scs_overlays_trampoline_lowered:
0x8: {  	[smem:$0x3FAC] =	sst s0  }
0x9: {  	[smem:$0x3FAD] =	sst s1  }
0xa: {  	[smem:$0x3FAE] =	sst s2  }
0xb: {  	[smem:$0x3FAF] =	sst s3  }
0xc: {  	[smem:$0x3FB0] =	sst s4  }
0xd: {  	[smem:$0x3FB1] =	sst s5  }
0xe: {  	[smem:$0x3FB2] =	sst s6  }
0xf: {  	[smem:$0x3FB3] =	sst s7  }
0x10: {  	[smem:$0x3FB4] =	sst s8  }
0x11: {  	[smem:$0x3FB5] =	sst s9;
	s0 =	simm.s32 @!p0 $0x0  }
0x12: {  	s1 =	sld [smem:$0x3F9B];
	s0 =	simm.s32 @p0 $0x1  }
0x13: {  	[smem:$0x3FB6] =	sst s0;
	s0 =	simm.s32 @!p1 $0x0  }
0x14: {  	s2 =	sld [smem:$0x3F9A];
	s0 =	simm.s32 @p1 $0x1  }
0x15: {  	[smem:$0x3FB7] =	sst s0;
	s0 =	simm.s32 @!p2 $0x0  }
0x16: {  	s3 =	sld [smem:$0x3FDB];
	s0 =	simm.s32 @p2 $0x1  }
0x17: {  	s4 =	simm.s32 $0x1BF5;
	[smem:$0x3FB9] =	sst s0  }
0x18: {  	s0 =	sld [smem:$0x3F9C];
	_ =	swait.ge [sflag:s4], $0x0  }
0x19: {  	s7 =	sld [smem:$0x3F9D]  }
0x1a: {  	s8 =	sadd.s32 $0xFFFFE003, lr  }
0x1b: {  	s9 =	sadd.s32 $0xFFFFFEF7, lr;
	s5 =	simm.s32 $0xFFFFFFFF;
	p2 =	slt.u32 s8, $0xFFFFF086  }
0x1c: {  	p1 =	slt.u32 s9, $0xF7A;
	s5 =	simm.s32 @!p2 $0x0  }
0x1d: {  	s5 =	simm.s32 @p1 $0x1;
	p0 =	seq.s32 s7, s2  }
0x1e: {  	s7 =	smul.u32 @!p0 $0xF7A, s2;
	p2 =	seq.s32 @!p0 s5, $0x0  }
0x1f: {  	s9 =	smul.u32 $0xF7A, s1;
	s8 =	simm.s32 @!p0 $0x1BF5;
	p2 =	por !p2, p0  }
0x20: {  	[sflag:s8] =	ssyncset.s32 @!p0 $0xFFFFF086;
	s6 =	sadd.s32 @!p0 s3, s7;
	s7 =	simm.s32 @!p0 $0x108  }
0x21: {  	s3 =	sadd.s32 s3, s9;
	s6 =	sadd.s32 @!p0 $0x88, s6;
	s7 =	simm.s32 @p2 $0x1082  }
0x22: {  	[simem:s7], [sflag:s8] =	dma.local @!p0 [hbm:s6], $0xF7A  }
0x23: {  	s9 =	sor.u32 $0xD0000000, s2;
	s6 =	simm.s32 $0x108;
	_ =	swait.ge @!p0 [sflag:s8], $0x0  }
0x24: {  	s3 =	sadd.s32 $0x88, s3;
	s6 =	simm.s32 @!p1 $0x1082;
	[sflag:s4] =	ssyncset.s32 $0xFFFFF086  }
0x25: {  	[simem:s6], [sflag:s4] =	dma.local [hbm:s3], $0xF7A  }
0x26: {  	[smem:$0x3F9D] =	sst s1;
	(tag) =	ssettag s2;
	_ =	strace s9  }
0x27: {  	s1 =	sld [smem:$0x3FAD]  }
0x28: {  	s2 =	sld [smem:$0x3FAE]  }
0x29: {  	s4 =	sld [smem:$0x3FB0]  }
0x2a: {  	p0 =	seq.s32 s5, $0x0;
	s5 =	sld [smem:$0x3FB1]  }
0x2b: {  	s6 =	sld [smem:$0x3FB2]  }
0x2c: {  	s7 =	sld [smem:$0x3FB3]  }
0x2d: {  	s3 =	simm.s32 $0x108;
	s8 =	sld [smem:$0x3FB4]  }
0x2e: {  	s3 =	simm.s32 @!p0 $0x1082;
	s9 =	sld [smem:$0x3FB5]  }
0x2f: {  	lr =	sadd.s32 s0, s3;
	s0 =	sld [smem:$0x3FAC]  }
0x30: {  	s3 =	sld [smem:$0x3FAF]  }
0x31: {  	[smem:$0x3FB8] =	sst s10  }
0x32: {  	s10 =	sld [smem:$0x3FB6];
	_ =	sdelay $0x3  }
0x33: {  	p0 =	seq.s32 s10, $0x1;
	s10 =	sld [smem:$0x3FB8];
	_ =	sdelay $0x3  }
0x34: {  	[smem:$0x3FB8] =	sst s10  }
0x35: {  	s10 =	sld [smem:$0x3FB7];
	_ =	sdelay $0x3  }
0x36: {  	p1 =	seq.s32 s10, $0x1;
	s10 =	sld [smem:$0x3FB8];
	_ =	sdelay $0x3  }
0x37: {  	[smem:$0x3FB8] =	sst s10  }
0x38: {  	s10 =	sld [smem:$0x3FB9]  }
0x39: {  	_ = 	snop;
	(pc) =	sbr.ind lr, $3  }
0x3a: {  	_ = 	snop  }
0x3b: {  	_ = 	snop  }
0x3c: {  	p2 =	seq.s32 s10, $0x1;
	s10 =	sld [smem:$0x3FB8]  }
0x3d: {  	_ =	shalt  }
0x3e: {  	_ =	shalt  }
0x3f: {  	_ =	shalt  }
0x40: {  	_ =	shalt  }
0x41: {  	_ =	shalt  }
0x42: {  	_ =	shalt  }
0x43: {  	_ =	shalt  }
0x44: {  	_ =	shalt  }
0x45: {  	_ =	shalt  }
0x46: {  	_ =	shalt  }
0x47: {  	_ =	shalt  }
0x48: {  	_ =	shalt  }
0x49: {  	_ =	shalt  }
0x4a: {  	_ =	shalt  }
0x4b: {  	_ =	shalt  }
0x4c: {  	_ =	shalt  }
0x4d: {  	_ =	shalt  }
0x4e: {  	_ =	shalt  }
0x4f: {  	_ =	shalt  }
0x50: {  	_ =	shalt  }
0x51: {  	_ =	shalt  }
0x52: {  	_ =	shalt  }
0x53: {  	_ =	shalt  }
0x54: {  	_ =	shalt  }
0x55: {  	_ =	shalt  }
0x56: {  	_ =	shalt  }
0x57: {  	_ =	shalt  }
0x58: {  	_ =	shalt  }
0x59: {  	_ =	shalt  }
0x5a: {  	_ =	shalt  }
0x5b: {  	_ =	shalt  }
0x5c: {  	_ =	shalt  }
0x5d: {  	_ =	shalt  }
0x5e: {  	_ =	shalt  }
0x5f: {  	_ =	shalt  }
0x60: {  	_ =	shalt  }
0x61: {  	_ =	shalt  }
0x62: {  	_ =	shalt  }
0x63: {  	_ =	shalt  }
0x64: {  	_ =	shalt  }
0x65: {  	_ =	shalt  }
0x66: {  	_ =	shalt  }
0x67: {  	_ =	shalt  }
0x68: {  	_ =	shalt  }
0x69: {  	_ =	shalt  }
0x6a: {  	_ =	shalt  }
0x6b: {  	_ =	shalt  }
0x6c: {  	_ =	shalt  }
0x6d: {  	_ =	shalt  }
0x6e: {  	_ =	shalt  }
0x6f: {  	_ =	shalt  }
0x70: {  	_ =	shalt  }
0x71: {  	_ =	shalt  }
0x72: {  	_ =	shalt  }
0x73: {  	_ =	shalt  }
0x74: {  	_ =	shalt  }
0x75: {  	_ =	shalt  }
0x76: {  	_ =	shalt  }
0x77: {  	_ =	shalt  }
0x78: {  	_ =	shalt  }
0x79: {  	_ =	shalt  }
0x7a: {  	_ =	shalt  }
0x7b: {  	_ =	shalt  }
0x7c: {  	_ =	shalt  }
0x7d: {  	_ =	shalt  }
0x7e: {  	_ =	shalt  }
0x7f: {  	_ =	shalt  }
0x80: {  	_ =	shalt  }
0x81: {  	_ =	shalt  }
0x82: {  	_ =	shalt  }
0x83: {  	_ =	shalt  }
0x84: {  	_ =	shalt  }
0x85: {  	_ =	shalt  }
0x86: {  	_ =	shalt  }
0x87: {  	_ =	shalt  }
.Lfunc_end0:
.L_simem_size_0:
called_computation_lowered:
.L_overlay_start_0:
0x88: {  	s2 =	sld [smem:$0x3FD9]  }
0x89: {  	s3 =	sld [smem:$0x3FFE];
	_ =	sdelay $0x1  }
0x8a: {  	s1 =	srdreg.scid  }
0x8b: {  	s0 =	sand.u32 $0x1, s1  }
0x8c: {  	s17 =	sshll.u32 s0, $0xA;
	s2 =	sadd.s32 s3, s2  }
0x8d: {  	s2 =	sadd.s32 s2, s17  }
0x8e: {  	[smem:$0x3FC4] =	sst s2  }
0x8f: {  	_ = 	snop  }
0x90: {  	s2 =	sld [smem:$0x3FC9]  }
0x91: {  	s18 =	sld [smem:$0x3FD0];
	(tm) =	ssettm $0x1  }
0x92: {  	s4 =	sld [smem:$0x3FFB];
	_ =	sdelay $0x3  }
0x93: {  	_ =	strace s4  }
0x94: {  	s4 =	sld [smem:$0x3FFC];
	_ =	sdelay $0x3  }
0x95: {  	_ =	strace s4  }
0x96: {  	s4 =	sld [smem:$0x3FFD];
	_ =	sdelay $0x3  }
0x97: {  	_ =	strace s4  }
0x98: {  	_ =	strace $0x8FFFFFFF  }
0x99: {  	s19 =	sld [smem:$0x3FDB];
	_ =	sdelay $0x1  }
0x9a: {  	s5 =	simm.s32 $_scs_section_size  }
0x9b: {  	s6 =	simm.s32 $_size__tile_overlayer_lowered;
	s7 =	simm.s32 $_tile_overlayer_lowered  }
0x9c: {  	s22 =	simm.s32 $0x1BFF;
	s21 =	sshll.u32 s7, $0x1;
	s4 =	sadd.s32 s5, s19  }
0x9d: {  	s8 =	simm.s32 $0x0;
	s20 =	sshll.u32 s6, $0x1;
	s6 =	sadd.s32 s21, s4  }
0x9e: {  	[timem:s8], [sflag:s22] =	dma.local [hbm:s6], s20  }
0x9f: {  	_ =	swait.ge [sflag:s22], s20  }
0xa0: {  	s5 =	ssub.s32 $0x0, s20;
	[sflag:s22] =	ssyncset.done $0x0  }
0xa1: {  	[sflag:s22] =	ssyncadd.s32 s5;
	_ =	sdelay $0x1  }
0xa2: {  	s23 =	simm.s32 $0x1B8B  }
0xa3: {  	_ =	swait.ge [sflag:s23], $0x1  }
0xa4: {  	[sflag:s23] =	ssyncset.done $0x0  }
0xa5: {  	s25 =	simm.s32 $0x1B8E;
	s24 =	sld [smem:$0x3FFE];
	[sflag:s23] =	ssyncadd.s32 $0xFFFFFFFF  }
0xa6: {  	s26 =	simm.s32 $execute0_lowered;
	[smem:$0x3FD2] =	sst s25  }
0xa7: {  	s6 =	sshll.u32 s26, $0x1;
	_ =	strace $0x80000046;
	[dreg:$0x1] =	wrdreg $0xFFFFFFFF  }
0xa8: {  	s28 =	simm.s32 $_size_execute0_lowered;
	s4 =	sadd.s32 s4, s6;
	[dreg:$0x0] =	wrdreg $0x0  }
0xa9: {  	s6 =	sshll.u32 s28, $0x1;
	[dreg:$0x2] =	wrdreg s4  }
0xaa: {  	[dreg:$0x3] =	wrdreg s6  }
0xab: {  	[dreg:$0x4] =	wrdreg $0xC0  }
0xac: {  	_ =	task [dreg:s8], $0x5FFFF  }
0xad: {  	[dreg:$0x1] =	wrdreg $0xFFFFFFFF  }
0xae: {  	[dreg:$0x0] =	wrdreg $0x60  }
0xaf: {  	[dreg:$0x2] =	wrdreg s2  }
0xb0: {  	[dreg:$0x3] =	wrdreg s24  }
0xb1: {  	[dreg:$0x4] =	wrdreg s18  }
0xb2: {  	[dreg:$0x5] =	wrdreg $0x9  }
0xb3: {  	_ =	task.clear_ibuf [dreg:s8], $0x6FFFF;
	_ =	strace $0x90000046  }
0xb4: {  	s29 =	simm.s32 $0x9;
	_ =	strace $0x80000048  }
0xb5: {  	_ =	swait.ge [sflag:s29], $0x1  }
0xb6: {  	[sflag:s29] =	ssyncadd.s32 $0xFFFFFFFF  }
0xb7: {  	_ =	strace $0x90000048  }
0xb8: {  	_ =	sfence  }
0xb9: {  	s30 =	sld [smem:$0x0];
	_ =	sdelay $0x2  }
0xba: {  	s31 =	sshll.u32 s1, $0xD;
	s1 =	sshrl.u32 s1, $0x2  }
0xbb: {  	s3 =	sand.u32 $0x4000, s31;
	s1 =	sadd.s32 s1, s30  }
0xbc: {  	s0 =	sor.u32 s3, s0;
	s1 =	sshll.u32 s1, $0x11  }
0xbd: {  	s0 =	sor.u32 s1, s0  }
0xbe: {  	s0 =	sadd.s32 $0x8F2B, s0  }
0xbf: {  	[sflag:s0] =	ssyncadd.remote.s32 $0x1  }
0xc0: {  	_ =	sfence.sel $0xFFFF  }
0xc1: {  	[dreg:$0x0] =	wrdreg $0xFFFFFFFF;
	(pc) =	sbr.abs _section_cstart, $3  }
0xc2: {  	[dreg:$0x1] =	wrdreg $0xFFFFFFFF  }
0xc3: {  	_ =	task.clear_ibuf [dreg:s8], $0x2FFFF;
	_ =	strace $0x9FFFFFFF  }
0xc4: {  	(tm) =	ssettm $0x7FFFFFFF  }
0xc5: {  	_ =	shalt  }
tec
execute0_lowered:
.L_overlay_start_1:
0x0: {  	(tag) =	ssettag $0x1  }
0x1: {  	s1 =	rddreg [dreg:$0x0]  }
0x2: {  	s0 =	rddreg [dreg:$0x1]  }
0x3: {  	s4 =	rddreg [dreg:$0x2];
	s3 =	simm.s32 $0x0  }
0x4: {  	[smem:$0x7FF] =	sst s3;
	s8 =	sadd.s32 $0x200, s0  }
0x5: {  	s12 =	simm.s32 $0x880;
	_ =	strace $0x80000047;
	[dreg:$0x4] =	wrdreg s8  }
0x6: {  	s13 =	simm.s32 $0x1080;
	[dreg:$0x8] =	wrdreg s12  }
0x7: {  	s5 =	srdreg.scid;
	s14 =	simm.s32 $0x1880;
	[dreg:$0x9] =	wrdreg s13  }
0x8: {  	s2 =	stileid.u32;
	s15 =	simm.s32 $0x2080;
	[dreg:$0xa] =	wrdreg s14  }
0x9: {  	s16 =	simm.s32 $0x2880;
	s18 =	simm.s32 $0x3080;
	[dreg:$0xb] =	wrdreg s15  }
0xa: {  	s19 =	simm.s32 $0x3880;
	s21 =	simm.s32 $0x4080;
	[dreg:$0xc] =	wrdreg s16  }
0xb: {  	s22 =	simm.s32 $0x4880;
	s23 =	simm.s32 $0x5080;
	[dreg:$0xd] =	wrdreg s18  }
0xc: {  	s24 =	simm.s32 $0x5880;
	s25 =	simm.s32 $0x6080;
	[dreg:$0xe] =	wrdreg s19  }
0xd: {  	s26 =	simm.s32 $0x6880;
	s9 =	simm.s32 $0x80;
	[dreg:$0xf] =	wrdreg s21  }
0xe: {  	s28 =	simm.s32 $0xF880;
	s29 =	simm.s32 $0x40;
	[dreg:$0x10] =	wrdreg s22  }
0xf: {  	s30 =	simm.s32 $0x10080;
	s31 =	simm.s32 $0x1;
	[dreg:$0x11] =	wrdreg s23  }
0x10: {  	s5 =	sand.u32 $0x1, s5;
	s6 =	sshll.u32 s2, $0x7;
	[dreg:$0x12] =	wrdreg s24  }
0x11: {  	s7 =	sshll.u32 s5, $0x6;
	s17 =	ssub.s32 $0x2, s5;
	[dreg:$0x13] =	wrdreg s25  }
0x12: {  	s8 =	simm.s32 $0x3;
	[dreg:$0x14] =	wrdreg s26;
	s12 =	simm.s32 $0x8080  }
0x13: {  	s13 =	simm.s32 $0x8880;
	s14 =	simm.s32 $0x9080;
	s15 =	simm.s32 $0x9880  }
0x14: {  	s16 =	simm.s32 $0xA080;
	s18 =	simm.s32 $0xB080;
	s19 =	simm.s32 $0xB880  }
0x15: {  	s21 =	simm.s32 $0xC880;
	s22 =	simm.s32 $0xD080;
	s23 =	simm.s32 $0xD880  }
0x16: {  	s24 =	simm.s32 $0xE080;
	s25 =	simm.s32 $0xE880;
	s6 =	sor.u32 s7, s6  }
0x17: {  	s26 =	simm.s32 $0xF080;
	s5 =	sshrl.u32 s17, $0x1;
	s7 =	sshrl.u32 s6, $0x3  }
0x18: {  	s11 =	sshll.u32 s6, $0x4;
	s6 =	sshll.u32 s6, $0x7;
	s20 =	ssub.s32 s17, s5  }
0x19: {  	s5 =	sadd.s32 $0x200, s1;
	s17 =	simm.s32 $0xA880;
	s7 =	sadd.s32 s0, s7  }
0x1a: {  	s0 =	sadd.s32 s11, s0;
	s4 =	sadd.s32 s4, s6;
	[dreg:$0x5] =	wrdreg s7  }
0x1b: {  	v2 =	vlaneseq.u32;
	s6 =	sadd.s32 $0x300, s1;
	s11 =	simm.s32 $0x7880;
	[dreg:$0x6] =	wrdreg s4  }
0x1c: {  	vm0 =	vmmov $0xffff;
	v1 =	vshrl.u32 v2, $0x3;
	s0 =	sadd.s32 $0x8200, s0;
	s4 =	sadd.s32 $0x100, s1;
	s7 =	smax.u32 s20, $0x1  }
0x1d: {  	v0 =	vand.u32 $0x7, v2;
	v2 =	vor.u32 $0x8, v2;
	v1 =	vmul.u32 $0x8, v1;
	s20 =	simm.s32 $0xC080;
	[dreg:$0x7] =	wrdreg s0;
	s0 =	simm.s32 $0x2  }
.LBB2_1:
0x1e: {  	s2 =	rddreg [dreg:$0x5]  }
0x1f: {  	[tilespmem:s3], [sflag:$0x3] =	stream.linear.gather [hbm4b:s2+s3], $0x40, $0x38;
	[tilespmem:$0x12080] =	vst v63  }
0x20: {  	_ =	swait.ge [sflag:s8], $0x40  }
0x21: {  	[sflag:s8] =	ssyncset.done $0x0  }
0x22: {  	[sflag:s8] =	ssyncadd.s32 $0xFFFFFFC0  }
0x23: {  	v3 =	vld [tilespmem:$0x0];
	_ =	sdelay $0x4  }
0x24: {  	v4 =	vshll.u32 v3, $0x3  }
0x25: {  	v3 =	vand.u32 $0x7, v3;
	v4 =	vand.u32 $0xFFFFFFC0, v4  }
0x26: {  	v3 =	vor.u32 v3, v4  }
0x27: {  	v4 =	vperm.xlane v3, v0;
	_ =	sdelay $0x1  }
0x28: {  	v4 =	vadd.s32 v1, v4;
	_ =	sdelay $0x4  }
0x29: {  	[tilespmem:s9], [sflag:$0x1] =	stream.indirect_vreg.gather [hbm4b:s1+s3], $0x80, v4, vm0, $0xb8;
	[tilespmem:$0x12080] =	vst v63  }
0x2a: {  	s2 =	rddreg [dreg:$0x8];
	v3 =	vperm.xlane v3, v2  }
0x2b: {  	[tilespmem:s2], [sflag:$0x1] =	stream.indirect_vreg.gather [hbm4b:s4+s3], $0x80, v4, vm0, $0xb8;
	[tilespmem:$0x12080] =	vst v63  }
0x2c: {  	s10 =	rddreg [dreg:$0x9];
	v3 =	vadd.s32 v1, v3  }
0x2d: {  	[tilespmem:s10], [sflag:$0x1] =	stream.indirect_vreg.gather [hbm4b:s5+s3], $0x80, v4, vm0, $0xb8;
	[tilespmem:$0x12080] =	vst v63  }
0x2e: {  	s2 =	rddreg [dreg:$0xa]  }
0x2f: {  	[tilespmem:s2], [sflag:$0x1] =	stream.indirect_vreg.gather [hbm4b:s6+s3], $0x80, v4, vm0, $0xb8;
	[tilespmem:$0x12080] =	vst v63  }
0x30: {  	s10 =	rddreg [dreg:$0xb]  }
0x31: {  	[tilespmem:s10], [sflag:$0x1] =	stream.indirect_vreg.gather [hbm4b:s1+s3], $0x80, v3, vm0, $0xb8;
	[tilespmem:$0x12080] =	vst v63  }
0x32: {  	s2 =	rddreg [dreg:$0xc]  }
0x33: {  	[tilespmem:s2], [sflag:$0x1] =	stream.indirect_vreg.gather [hbm4b:s4+s3], $0x80, v3, vm0, $0xb8;
	[tilespmem:$0x12080] =	vst v63  }
0x34: {  	s10 =	rddreg [dreg:$0xd]  }
0x35: {  	[tilespmem:s10], [sflag:$0x1] =	stream.indirect_vreg.gather [hbm4b:s5+s3], $0x80, v3, vm0, $0xb8;
	[tilespmem:$0x12080] =	vst v63  }
0x36: {  	s2 =	rddreg [dreg:$0xe]  }
0x37: {  	[tilespmem:s2], [sflag:$0x1] =	stream.indirect_vreg.gather [hbm4b:s6+s3], $0x80, v3, vm0, $0xb8;
	[tilespmem:$0x12080] =	vst v63  }
0x38: {  	v3 =	vld [tilespmem:$0x10];
	_ =	sdelay $0x4  }
0x39: {  	v61 =	vshll.u32 v3, $0x3  }
0x3a: {  	v3 =	vand.u32 $0x7, v3;
	v4 =	vand.u32 $0xFFFFFFC0, v61  }
0x3b: {  	v3 =	vor.u32 v3, v4  }
0x3c: {  	v4 =	vperm.xlane v3, v0;
	_ =	sdelay $0x1  }
0x3d: {  	v4 =	vadd.s32 v1, v4;
	_ =	sdelay $0x3  }
0x3e: {  	s2 =	rddreg [dreg:$0xf]  }
0x3f: {  	[tilespmem:s2], [sflag:$0x1] =	stream.indirect_vreg.gather [hbm4b:s1+s3], $0x80, v4, vm0, $0xb8;
	[tilespmem:$0x12080] =	vst v63  }
0x40: {  	s10 =	rddreg [dreg:$0x10];
	v3 =	vperm.xlane v3, v2  }
0x41: {  	[tilespmem:s10], [sflag:$0x1] =	stream.indirect_vreg.gather [hbm4b:s4+s3], $0x80, v4, vm0, $0xb8;
	[tilespmem:$0x12080] =	vst v63  }
0x42: {  	v3 =	vadd.s32 v1, v3;
	s2 =	rddreg [dreg:$0x11]  }
0x43: {  	[tilespmem:s2], [sflag:$0x1] =	stream.indirect_vreg.gather [hbm4b:s5+s3], $0x80, v4, vm0, $0xb8;
	[tilespmem:$0x12080] =	vst v63  }
0x44: {  	s10 =	rddreg [dreg:$0x12]  }
0x45: {  	[tilespmem:s10], [sflag:$0x1] =	stream.indirect_vreg.gather [hbm4b:s6+s3], $0x80, v4, vm0, $0xb8;
	[tilespmem:$0x12080] =	vst v63  }
0x46: {  	s2 =	rddreg [dreg:$0x13]  }
0x47: {  	[tilespmem:s2], [sflag:$0x1] =	stream.indirect_vreg.gather [hbm4b:s1+s3], $0x80, v3, vm0, $0xb8;
	[tilespmem:$0x12080] =	vst v63  }
0x48: {  	s10 =	rddreg [dreg:$0x14]  }
0x49: {  	[tilespmem:s10], [sflag:$0x1] =	stream.indirect_vreg.gather [hbm4b:s4+s3], $0x80, v3, vm0, $0xb8;
	[tilespmem:$0x12080] =	vst v63  }
0x4a: {  	s10 =	simm.s32 $0x7080  }
0x4b: {  	[tilespmem:s10], [sflag:$0x1] =	stream.indirect_vreg.gather [hbm4b:s5+s3], $0x80, v3, vm0, $0xb8;
	[tilespmem:$0x12080] =	vst v63  }
0x4c: {  	_ = 	snop  }
0x4d: {  	[tilespmem:s11], [sflag:$0x1] =	stream.indirect_vreg.gather [hbm4b:s6+s3], $0x80, v3, vm0, $0xb8;
	[tilespmem:$0x12080] =	vst v63  }
0x4e: {  	v3 =	vld [tilespmem:$0x20];
	_ =	sdelay $0x4  }
0x4f: {  	v62 =	vshll.u32 v3, $0x3  }
0x50: {  	v3 =	vand.u32 $0x7, v3;
	v4 =	vand.u32 $0xFFFFFFC0, v62  }
0x51: {  	v3 =	vor.u32 v3, v4  }
0x52: {  	v4 =	vperm.xlane v3, v0;
	_ =	sdelay $0x1  }
0x53: {  	v4 =	vadd.s32 v1, v4;
	_ =	sdelay $0x4  }
0x54: {  	[tilespmem:s12], [sflag:$0x1] =	stream.indirect_vreg.gather [hbm4b:s1+s3], $0x80, v4, vm0, $0xb8;
	[tilespmem:$0x12080] =	vst v63  }
0x55: {  	v3 =	vperm.xlane v3, v2  }
0x56: {  	[tilespmem:s13], [sflag:$0x1] =	stream.indirect_vreg.gather [hbm4b:s4+s3], $0x80, v4, vm0, $0xb8;
	[tilespmem:$0x12080] =	vst v63  }
0x57: {  	v3 =	vadd.s32 v1, v3  }
0x58: {  	[tilespmem:s14], [sflag:$0x1] =	stream.indirect_vreg.gather [hbm4b:s5+s3], $0x80, v4, vm0, $0xb8;
	[tilespmem:$0x12080] =	vst v63  }
0x59: {  	_ = 	snop  }
0x5a: {  	[tilespmem:s15], [sflag:$0x1] =	stream.indirect_vreg.gather [hbm4b:s6+s3], $0x80, v4, vm0, $0xb8;
	[tilespmem:$0x12080] =	vst v63  }
0x5b: {  	_ = 	snop  }
0x5c: {  	[tilespmem:s16], [sflag:$0x1] =	stream.indirect_vreg.gather [hbm4b:s1+s3], $0x80, v3, vm0, $0xb8;
	[tilespmem:$0x12080] =	vst v63  }
0x5d: {  	_ = 	snop  }
0x5e: {  	[tilespmem:s17], [sflag:$0x1] =	stream.indirect_vreg.gather [hbm4b:s4+s3], $0x80, v3, vm0, $0xb8;
	[tilespmem:$0x12080] =	vst v63  }
0x5f: {  	_ = 	snop  }
0x60: {  	[tilespmem:s18], [sflag:$0x1] =	stream.indirect_vreg.gather [hbm4b:s5+s3], $0x80, v3, vm0, $0xb8;
	[tilespmem:$0x12080] =	vst v63  }
0x61: {  	_ = 	snop  }
0x62: {  	[tilespmem:s19], [sflag:$0x1] =	stream.indirect_vreg.gather [hbm4b:s6+s3], $0x80, v3, vm0, $0xb8;
	[tilespmem:$0x12080] =	vst v63  }
0x63: {  	v3 =	vld [tilespmem:$0x30];
	_ =	sdelay $0x4  }
0x64: {  	v63 =	vshll.u32 v3, $0x3  }
0x65: {  	v3 =	vand.u32 $0x7, v3;
	v4 =	vand.u32 $0xFFFFFFC0, v63  }
0x66: {  	v3 =	vor.u32 v3, v4  }
0x67: {  	v4 =	vperm.xlane v3, v0;
	_ =	sdelay $0x1  }
0x68: {  	v4 =	vadd.s32 v1, v4;
	_ =	sdelay $0x4  }
0x69: {  	[tilespmem:s20], [sflag:$0x1] =	stream.indirect_vreg.gather [hbm4b:s1+s3], $0x80, v4, vm0, $0xb8;
	[tilespmem:$0x12080] =	vst v63  }
0x6a: {  	v3 =	vperm.xlane v3, v2  }
0x6b: {  	[tilespmem:s21], [sflag:$0x1] =	stream.indirect_vreg.gather [hbm4b:s4+s3], $0x80, v4, vm0, $0xb8;
	[tilespmem:$0x12080] =	vst v63  }
0x6c: {  	v3 =	vadd.s32 v1, v3  }
0x6d: {  	[tilespmem:s22], [sflag:$0x1] =	stream.indirect_vreg.gather [hbm4b:s5+s3], $0x80, v4, vm0, $0xb8;
	[tilespmem:$0x12080] =	vst v63  }
0x6e: {  	_ = 	snop  }
0x6f: {  	[tilespmem:s23], [sflag:$0x1] =	stream.indirect_vreg.gather [hbm4b:s6+s3], $0x80, v4, vm0, $0xb8;
	[tilespmem:$0x12080] =	vst v63  }
0x70: {  	_ = 	snop  }
0x71: {  	[tilespmem:s24], [sflag:$0x1] =	stream.indirect_vreg.gather [hbm4b:s1+s3], $0x80, v3, vm0, $0xb8;
	[tilespmem:$0x12080] =	vst v63  }
0x72: {  	_ = 	snop  }
0x73: {  	[tilespmem:s25], [sflag:$0x1] =	stream.indirect_vreg.gather [hbm4b:s4+s3], $0x80, v3, vm0, $0xb8;
	[tilespmem:$0x12080] =	vst v63  }
0x74: {  	_ = 	snop  }
0x75: {  	[tilespmem:s26], [sflag:$0x1] =	stream.indirect_vreg.gather [hbm4b:s5+s3], $0x80, v3, vm0, $0xb8;
	[tilespmem:$0x12080] =	vst v63  }
0x76: {  	_ = 	snop  }
0x77: {  	[tilespmem:s28], [sflag:$0x1] =	stream.indirect_vreg.gather [hbm4b:s6+s3], $0x80, v3, vm0, $0xb8;
	[tilespmem:$0x12080] =	vst v63  }
0x78: {  	s10 =	rddreg [dreg:$0x4]  }
0x79: {  	[tilespmem:s30], [sflag:$0x2] =	stream.indirect.gather [hbm4b:s10+s29], $0x80, s3, s29, $0xb8;
	[tilespmem:$0x12080] =	vst v63  }
0x7a: {  	_ =	swait.ge [sflag:s31], $0x10000  }
0x7b: {  	[sflag:s31] =	ssyncset.done $0x0  }
0x7c: {  	[sflag:s31] =	ssyncadd.s32 $0xFFFF0000  }
0x7d: {  	_ =	swait.ge [sflag:s0], $0x2000  }
0x7e: {  	[sflag:s0] =	ssyncset.done $0x0  }
0x7f: {  	s10 =	rddreg [dreg:$0x6];
	[sflag:s0] =	ssyncadd.s32 $0xFFFFE000  }
0x80: {  	[hbm4b:s10+s3] =	stream.linear.scatter [tilespmem:s9], [sflag:$0x3], $0x10000, $0x38;
	[tilespmem:$0x12080] =	vst v63  }
0x81: {  	_ =	swait.ge [sflag:s8], $0x10000  }
0x82: {  	p0 =	sne.s32 s7, $0x1;
	[sflag:s8] =	ssyncset.done $0x0  }
.Ltmp0:
0x83: {  	s10 =	rddreg [dreg:$0x7];
	[sflag:s8] =	ssyncadd.s32 $0xFFFF0000;
	(pc) =	sbr.rel @p0 .LBB2_1-.Ltmp0, $4  }
0x84: {  	[hbm4b:s10+s3] =	stream.linear.scatter [tilespmem:s30], [sflag:$0x3], $0x2000, $0x38;
	[tilespmem:$0x12080] =	vst v63  }
0x85: {  	_ =	swait.ge [sflag:s8], $0x2000  }
0x86: {  	[sflag:s8] =	ssyncset.done $0x0  }
0x87: {  	s7 =	sadd.s32 $0xFFFFFFFF, s7;
	[sflag:s8] =	ssyncadd.s32 $0xFFFFE000  }
0x88: {  	_ =	sfence.sel $0x180000  }
0x89: {  	[bflag:$0x0] =	sbarrier.arrive $0xFFFF  }
0x8a: {  	_ =	strace $0x90000047  }
0x8b: {  	s0 =	stileid.u32;
	[bflag:$0x2] =	sbarrier.arrive $0xFFFF  }
0x8c: {  	p0 =	sne.s32 s0, $0x0;
	s0 =	rddreg [dreg:$0x3]  }
0x8d: {  	s0 =	sadd.s32 @!p0 $0x100000, s0  }
0x8e: {  	[sflag:s0] =	ssyncadd.tile.s32 @!p0 $0x1;
	_ =	shalt  }
.Lfunc_end2:
_tile_overlayer_lowered:
.L_overlay_start_2:
0x8f: {  	(tag) =	ssettag $0x2  }
0x90: {  	s0 =	rddreg [dreg:$0x0];
	s2 =	stileid.u32  }
0x91: {  	s1 =	rddreg [dreg:$0x1];
	p0 =	sne.s32 s2, $0x0  }
0x92: {  	s3 =	rddreg [dreg:$0x2];
	[bflag:$0x3] =	sbarrier.arrive $0xFFFF;
	s2 =	simm.s32 @!p0 $0x1C03  }
0x93: {  	[timem:s3], [sflag:s2] =	dma.local @!p0 [hbm:s0], s1  }
0x94: {  	s0 =	simm.s32 @!p0 $0x3  }
0x95: {  	_ =	swait.ge @!p0 [sflag:s0], s1  }
0x96: {  	s1 =	ssub.s32 @!p0 $0x0, s1;
	[sflag:s0] =	ssyncset.done @!p0 $0x0  }
0x97: {  	[sflag:s0] =	ssyncadd.s32 @!p0 s1  }
0x98: {  	[bflag:$0x3] =	sbarrier.arrive $0xFFFF  }
0x99: {  	_ =	shalt  }

// kernel: kernel.8.cloned.1.call-start
scs
__scs_entry_jumppad:
0x0: {  	(pc) =	sbr.rel $0x88, $3  }
0x1: {  	(tag) =	ssettag $0x0;
	lr =	simm.s32 $0x1  }
0x2: {  	[smem:$0x3F9D] =	sst lr;
	_ =	strace $0xD0000000  }
0x3: {  	_ = 	snop  }
0x4: {  	_ = 	snop  }
0x5: {  	_ = 	snop  }
0x6: {  	_ = 	snop  }
0x7: {  	_ = 	snop  }
__scs_overlays_trampoline_lowered:
0x8: {  	[smem:$0x3FAC] =	sst s0  }
0x9: {  	[smem:$0x3FAD] =	sst s1  }
0xa: {  	[smem:$0x3FAE] =	sst s2  }
0xb: {  	[smem:$0x3FAF] =	sst s3  }
0xc: {  	[smem:$0x3FB0] =	sst s4  }
0xd: {  	[smem:$0x3FB1] =	sst s5  }
0xe: {  	[smem:$0x3FB2] =	sst s6  }
0xf: {  	[smem:$0x3FB3] =	sst s7  }
0x10: {  	[smem:$0x3FB4] =	sst s8  }
0x11: {  	[smem:$0x3FB5] =	sst s9;
	s0 =	simm.s32 @!p0 $0x0  }
0x12: {  	s1 =	sld [smem:$0x3F9B];
	s0 =	simm.s32 @p0 $0x1  }
0x13: {  	[smem:$0x3FB6] =	sst s0;
	s0 =	simm.s32 @!p1 $0x0  }
0x14: {  	s2 =	sld [smem:$0x3F9A];
	s0 =	simm.s32 @p1 $0x1  }
0x15: {  	[smem:$0x3FB7] =	sst s0;
	s0 =	simm.s32 @!p2 $0x0  }
0x16: {  	s3 =	sld [smem:$0x3FDB];
	s0 =	simm.s32 @p2 $0x1  }
0x17: {  	s4 =	simm.s32 $0x1BF5;
	[smem:$0x3FB9] =	sst s0  }
0x18: {  	s0 =	sld [smem:$0x3F9C];
	_ =	swait.ge [sflag:s4], $0x0  }
0x19: {  	s7 =	sld [smem:$0x3F9D]  }
0x1a: {  	s8 =	sadd.s32 $0xFFFFE003, lr  }
0x1b: {  	s9 =	sadd.s32 $0xFFFFFEF7, lr;
	s5 =	simm.s32 $0xFFFFFFFF;
	p2 =	slt.u32 s8, $0xFFFFF086  }
0x1c: {  	p1 =	slt.u32 s9, $0xF7A;
	s5 =	simm.s32 @!p2 $0x0  }
0x1d: {  	s5 =	simm.s32 @p1 $0x1;
	p0 =	seq.s32 s7, s2  }
0x1e: {  	s7 =	smul.u32 @!p0 $0xF7A, s2;
	p2 =	seq.s32 @!p0 s5, $0x0  }
0x1f: {  	s9 =	smul.u32 $0xF7A, s1;
	s8 =	simm.s32 @!p0 $0x1BF5;
	p2 =	por !p2, p0  }
0x20: {  	[sflag:s8] =	ssyncset.s32 @!p0 $0xFFFFF086;
	s6 =	sadd.s32 @!p0 s3, s7;
	s7 =	simm.s32 @!p0 $0x108  }
0x21: {  	s3 =	sadd.s32 s3, s9;
	s6 =	sadd.s32 @!p0 $0x88, s6;
	s7 =	simm.s32 @p2 $0x1082  }
0x22: {  	[simem:s7], [sflag:s8] =	dma.local @!p0 [hbm:s6], $0xF7A  }
0x23: {  	s9 =	sor.u32 $0xD0000000, s2;
	s6 =	simm.s32 $0x108;
	_ =	swait.ge @!p0 [sflag:s8], $0x0  }
0x24: {  	s3 =	sadd.s32 $0x88, s3;
	s6 =	simm.s32 @!p1 $0x1082;
	[sflag:s4] =	ssyncset.s32 $0xFFFFF086  }
0x25: {  	[simem:s6], [sflag:s4] =	dma.local [hbm:s3], $0xF7A  }
0x26: {  	[smem:$0x3F9D] =	sst s1;
	(tag) =	ssettag s2;
	_ =	strace s9  }
0x27: {  	s1 =	sld [smem:$0x3FAD]  }
0x28: {  	s2 =	sld [smem:$0x3FAE]  }
0x29: {  	s4 =	sld [smem:$0x3FB0]  }
0x2a: {  	p0 =	seq.s32 s5, $0x0;
	s5 =	sld [smem:$0x3FB1]  }
0x2b: {  	s6 =	sld [smem:$0x3FB2]  }
0x2c: {  	s7 =	sld [smem:$0x3FB3]  }
0x2d: {  	s3 =	simm.s32 $0x108;
	s8 =	sld [smem:$0x3FB4]  }
0x2e: {  	s3 =	simm.s32 @!p0 $0x1082;
	s9 =	sld [smem:$0x3FB5]  }
0x2f: {  	lr =	sadd.s32 s0, s3;
	s0 =	sld [smem:$0x3FAC]  }
0x30: {  	s3 =	sld [smem:$0x3FAF]  }
0x31: {  	[smem:$0x3FB8] =	sst s10  }
0x32: {  	s10 =	sld [smem:$0x3FB6];
	_ =	sdelay $0x3  }
0x33: {  	p0 =	seq.s32 s10, $0x1;
	s10 =	sld [smem:$0x3FB8];
	_ =	sdelay $0x3  }
0x34: {  	[smem:$0x3FB8] =	sst s10  }
0x35: {  	s10 =	sld [smem:$0x3FB7];
	_ =	sdelay $0x3  }
0x36: {  	p1 =	seq.s32 s10, $0x1;
	s10 =	sld [smem:$0x3FB8];
	_ =	sdelay $0x3  }
0x37: {  	[smem:$0x3FB8] =	sst s10  }
0x38: {  	s10 =	sld [smem:$0x3FB9]  }
0x39: {  	_ = 	snop;
	(pc) =	sbr.ind lr, $3  }
0x3a: {  	_ = 	snop  }
0x3b: {  	_ = 	snop  }
0x3c: {  	p2 =	seq.s32 s10, $0x1;
	s10 =	sld [smem:$0x3FB8]  }
0x3d: {  	_ =	shalt  }
0x3e: {  	_ =	shalt  }
0x3f: {  	_ =	shalt  }
0x40: {  	_ =	shalt  }
0x41: {  	_ =	shalt  }
0x42: {  	_ =	shalt  }
0x43: {  	_ =	shalt  }
0x44: {  	_ =	shalt  }
0x45: {  	_ =	shalt  }
0x46: {  	_ =	shalt  }
0x47: {  	_ =	shalt  }
0x48: {  	_ =	shalt  }
0x49: {  	_ =	shalt  }
0x4a: {  	_ =	shalt  }
0x4b: {  	_ =	shalt  }
0x4c: {  	_ =	shalt  }
0x4d: {  	_ =	shalt  }
0x4e: {  	_ =	shalt  }
0x4f: {  	_ =	shalt  }
0x50: {  	_ =	shalt  }
0x51: {  	_ =	shalt  }
0x52: {  	_ =	shalt  }
0x53: {  	_ =	shalt  }
0x54: {  	_ =	shalt  }
0x55: {  	_ =	shalt  }
0x56: {  	_ =	shalt  }
0x57: {  	_ =	shalt  }
0x58: {  	_ =	shalt  }
0x59: {  	_ =	shalt  }
0x5a: {  	_ =	shalt  }
0x5b: {  	_ =	shalt  }
0x5c: {  	_ =	shalt  }
0x5d: {  	_ =	shalt  }
0x5e: {  	_ =	shalt  }
0x5f: {  	_ =	shalt  }
0x60: {  	_ =	shalt  }
0x61: {  	_ =	shalt  }
0x62: {  	_ =	shalt  }
0x63: {  	_ =	shalt  }
0x64: {  	_ =	shalt  }
0x65: {  	_ =	shalt  }
0x66: {  	_ =	shalt  }
0x67: {  	_ =	shalt  }
0x68: {  	_ =	shalt  }
0x69: {  	_ =	shalt  }
0x6a: {  	_ =	shalt  }
0x6b: {  	_ =	shalt  }
0x6c: {  	_ =	shalt  }
0x6d: {  	_ =	shalt  }
0x6e: {  	_ =	shalt  }
0x6f: {  	_ =	shalt  }
0x70: {  	_ =	shalt  }
0x71: {  	_ =	shalt  }
0x72: {  	_ =	shalt  }
0x73: {  	_ =	shalt  }
0x74: {  	_ =	shalt  }
0x75: {  	_ =	shalt  }
0x76: {  	_ =	shalt  }
0x77: {  	_ =	shalt  }
0x78: {  	_ =	shalt  }
0x79: {  	_ =	shalt  }
0x7a: {  	_ =	shalt  }
0x7b: {  	_ =	shalt  }
0x7c: {  	_ =	shalt  }
0x7d: {  	_ =	shalt  }
0x7e: {  	_ =	shalt  }
0x7f: {  	_ =	shalt  }
0x80: {  	_ =	shalt  }
0x81: {  	_ =	shalt  }
0x82: {  	_ =	shalt  }
0x83: {  	_ =	shalt  }
0x84: {  	_ =	shalt  }
0x85: {  	_ =	shalt  }
0x86: {  	_ =	shalt  }
0x87: {  	_ =	shalt  }
.Lfunc_end0:
.L_simem_size_0:
called_computation.1_lowered:
.L_overlay_start_0:
0x88: {  	s2 =	sld [smem:$0x3FD9]  }
0x89: {  	s3 =	sld [smem:$0x3FFE];
	_ =	sdelay $0x1  }
0x8a: {  	s1 =	srdreg.scid  }
0x8b: {  	s0 =	sand.u32 $0x1, s1  }
0x8c: {  	s17 =	sshll.u32 s0, $0xA;
	s2 =	sadd.s32 s3, s2  }
0x8d: {  	s2 =	sadd.s32 s2, s17  }
0x8e: {  	[smem:$0x3FC4] =	sst s2  }
0x8f: {  	_ = 	snop  }
0x90: {  	s2 =	sld [smem:$0x3FD0];
	(tm) =	ssettm $0x1  }
0x91: {  	s18 =	sld [smem:$0x3FFB];
	_ =	sdelay $0x3  }
0x92: {  	_ =	strace s18  }
0x93: {  	s3 =	sld [smem:$0x3FFC];
	_ =	sdelay $0x3  }
0x94: {  	_ =	strace s3  }
0x95: {  	s3 =	sld [smem:$0x3FFD];
	_ =	sdelay $0x3  }
0x96: {  	_ =	strace s3  }
0x97: {  	_ =	strace $0x8FFFFFFF  }
0x98: {  	s19 =	sld [smem:$0x3FDB];
	_ =	sdelay $0x1  }
0x99: {  	s4 =	simm.s32 $_scs_section_size  }
0x9a: {  	s5 =	simm.s32 $_size__tile_overlayer_lowered;
	s6 =	simm.s32 $_tile_overlayer_lowered  }
0x9b: {  	s22 =	simm.s32 $0x1BFF;
	s21 =	sshll.u32 s6, $0x1;
	s3 =	sadd.s32 s4, s19  }
0x9c: {  	s7 =	simm.s32 $0x0;
	s20 =	sshll.u32 s5, $0x1;
	s5 =	sadd.s32 s21, s3  }
0x9d: {  	[timem:s7], [sflag:s22] =	dma.local [hbm:s5], s20  }
0x9e: {  	_ =	swait.ge [sflag:s22], s20  }
0x9f: {  	s4 =	ssub.s32 $0x0, s20;
	[sflag:s22] =	ssyncset.done $0x0  }
0xa0: {  	[sflag:s22] =	ssyncadd.s32 s4;
	_ =	sdelay $0x1  }
0xa1: {  	s23 =	simm.s32 $0x1B8B  }
0xa2: {  	_ =	swait.ge [sflag:s23], $0x1  }
0xa3: {  	[sflag:s23] =	ssyncset.done $0x0  }
0xa4: {  	s25 =	simm.s32 $0x1B8E;
	s24 =	sld [smem:$0x3FFE];
	[sflag:s23] =	ssyncadd.s32 $0xFFFFFFFF  }
0xa5: {  	s26 =	simm.s32 $execute0_lowered;
	[smem:$0x3FD2] =	sst s25  }
0xa6: {  	s5 =	sshll.u32 s26, $0x1;
	_ =	strace $0x80000049;
	[dreg:$0x1] =	wrdreg $0xFFFFFFFF  }
0xa7: {  	s28 =	simm.s32 $_size_execute0_lowered;
	s3 =	sadd.s32 s3, s5;
	[dreg:$0x0] =	wrdreg $0x0  }
0xa8: {  	s5 =	sshll.u32 s28, $0x1;
	[dreg:$0x2] =	wrdreg s3  }
0xa9: {  	[dreg:$0x3] =	wrdreg s5  }
0xaa: {  	[dreg:$0x4] =	wrdreg $0xC0  }
0xab: {  	_ =	task [dreg:s7], $0x5FFFF  }
0xac: {  	[dreg:$0x1] =	wrdreg $0xFFFFFFFF  }
0xad: {  	[dreg:$0x0] =	wrdreg $0x60  }
0xae: {  	[dreg:$0x2] =	wrdreg s24  }
0xaf: {  	[dreg:$0x3] =	wrdreg s2  }
0xb0: {  	[dreg:$0x4] =	wrdreg $0x9  }
0xb1: {  	_ =	task.clear_ibuf [dreg:s7], $0x5FFFF;
	_ =	strace $0x90000049  }
0xb2: {  	s29 =	simm.s32 $0x9;
	_ =	strace $0x8000004B  }
0xb3: {  	_ =	swait.ge [sflag:s29], $0x1  }
0xb4: {  	[sflag:s29] =	ssyncadd.s32 $0xFFFFFFFF  }
0xb5: {  	_ =	strace $0x9000004B  }
0xb6: {  	_ =	sfence  }
0xb7: {  	s30 =	sld [smem:$0x0];
	_ =	sdelay $0x2  }
0xb8: {  	s31 =	sshll.u32 s1, $0xD;
	s1 =	sshrl.u32 s1, $0x2  }
0xb9: {  	s3 =	sand.u32 $0x4000, s31;
	s1 =	sadd.s32 s1, s30  }
0xba: {  	s0 =	sor.u32 s3, s0;
	s1 =	sshll.u32 s1, $0x11  }
0xbb: {  	s0 =	sor.u32 s1, s0  }
0xbc: {  	s0 =	sadd.s32 $0x8F2B, s0  }
0xbd: {  	[sflag:s0] =	ssyncadd.remote.s32 $0x1  }
0xbe: {  	_ =	sfence.sel $0xFFFF  }
0xbf: {  	[dreg:$0x0] =	wrdreg $0xFFFFFFFF;
	(pc) =	sbr.abs _section_cstart, $3  }
0xc0: {  	[dreg:$0x1] =	wrdreg $0xFFFFFFFF  }
0xc1: {  	_ =	task.clear_ibuf [dreg:s7], $0x2FFFF;
	_ =	strace $0x9FFFFFFF  }
0xc2: {  	(tm) =	ssettm $0x7FFFFFFF  }
0xc3: {  	_ =	shalt  }
tec
execute0_lowered:
.L_overlay_start_1:
0x0: {  	(tag) =	ssettag $0x1  }
0x1: {  	s0 =	rddreg [dreg:$0x0]  }
0x2: {  	s1 =	rddreg [dreg:$0x1]  }
0x3: {  	s3 =	srdreg.scid;
	s2 =	simm.s32 $0x0;
	s4 =	stileid.u32  }
0x4: {  	s29 =	simm.s32 $0x880;
	s30 =	simm.s32 $0x1080;
	s31 =	simm.s32 $0x1880  }
0x5: {  	s15 =	simm.s32 $0x3880;
	s16 =	simm.s32 $0x4080;
	s17 =	simm.s32 $0x4880  }
0x6: {  	s18 =	simm.s32 $0x5080;
	s19 =	simm.s32 $0x5880;
	s20 =	simm.s32 $0x6080  }
0x7: {  	s21 =	simm.s32 $0x6880;
	s22 =	simm.s32 $0x7080;
	s23 =	simm.s32 $0x7880  }
0x8: {  	s24 =	simm.s32 $0x8080;
	s3 =	sand.u32 $0x1, s3;
	[smem:$0x7FF] =	sst s2  }
0x9: {  	s4 =	sshll.u32 s4, $0x7;
	s10 =	sadd.s32 $0x10200, s0;
	s7 =	sadd.s32 $0x10800, s0  }
0xa: {  	s8 =	sadd.s32 $0x10900, s0;
	s5 =	sshll.u32 s3, $0x6;
	_ =	strace $0x8000004A  }
0xb: {  	s25 =	ssub.s32 $0x2, s3;
	s3 =	sadd.s32 $0x10400, s0;
	s9 =	sor.u32 s5, s4  }
0xc: {  	s6 =	sshrl.u32 s25, $0x1;
	s4 =	sadd.s32 $0x10500, s0;
	s5 =	sshrl.u32 s9, $0x3  }
0xd: {  	s11 =	ssub.s32 s25, s6;
	s6 =	sadd.s32 $0x10700, s0;
	s12 =	sshll.u32 s9, $0x8  }
0xe: {  	s13 =	sor.u32 $0x20, s9;
	s9 =	sadd.s32 $0x10A00, s0;
	s25 =	simm.s32 $0x8880  }
0xf: {  	s5 =	sadd.s32 s10, s5;
	s12 =	sadd.s32 s1, s12;
	s14 =	sshrl.u32 s13, $0x3  }
0x10: {  	s13 =	sshll.u32 s13, $0x8;
	s11 =	smax.u32 s11, $0x1;
	[dreg:$0x3] =	wrdreg s5  }
0x11: {  	s5 =	sadd.s32 $0x10600, s0;
	[dreg:$0x4] =	wrdreg s12;
	s26 =	sadd.s32 s10, s14  }
0x12: {  	v2 =	vlaneseq.u32;
	s10 =	sadd.s32 $0x10B00, s0;
	s28 =	sadd.s32 s1, s13;
	s12 =	simm.s32 $0x2  }
0x13: {  	vm0 =	vmmov $0xffff;
	v1 =	vshrl.u32 v2, $0x3;
	s0 =	simm.s32 $0x80;
	s14 =	simm.s32 $0x3080;
	[dreg:$0x5] =	wrdreg s26  }
0x14: {  	v0 =	vand.u32 $0x7, v2;
	v2 =	vor.u32 $0x8, v2;
	v1 =	vmul.u32 $0x8, v1;
	s13 =	simm.s32 $0x9080;
	[dreg:$0x6] =	wrdreg s28;
	s26 =	simm.s32 $0x1  }
.LBB2_1:
0x15: {  	s28 =	rddreg [dreg:$0x3]  }
0x16: {  	[tilespmem:s2], [sflag:$0x2] =	stream.linear.gather [hbm4b:s28+s2], $0x20, $0x38;
	[tilespmem:$0x10080] =	vst v63  }
0x17: {  	_ =	swait.ge [sflag:s12], $0x20  }
0x18: {  	[sflag:s12] =	ssyncset.done $0x0  }
0x19: {  	[sflag:s12] =	ssyncadd.s32 $0xFFFFFFE0  }
0x1a: {  	v3 =	vld [tilespmem:$0x0];
	_ =	sdelay $0x4  }
0x1b: {  	v4 =	vshll.u32 v3, $0x4  }
0x1c: {  	v3 =	vand.u32 $0x7, v3;
	v4 =	vand.u32 $0xFFFFFF80, v4  }
0x1d: {  	v3 =	vor.u32 v3, v4  }
0x1e: {  	v4 =	vperm.xlane v3, v0;
	_ =	sdelay $0x1  }
0x1f: {  	v4 =	vadd.s32 v1, v4;
	_ =	sdelay $0x4  }
0x20: {  	[tilespmem:s0], [sflag:$0x1] =	stream.indirect_vreg.gather [hbm4b:s3+s2], $0x80, v4, vm0, $0xb8;
	[tilespmem:$0x10080] =	vst v63  }
0x21: {  	_ = 	snop  }
0x22: {  	[tilespmem:s29], [sflag:$0x1] =	stream.indirect_vreg.gather [hbm4b:s4+s2], $0x80, v4, vm0, $0xb8;
	[tilespmem:$0x10080] =	vst v63  }
0x23: {  	_ = 	snop  }
0x24: {  	[tilespmem:s30], [sflag:$0x1] =	stream.indirect_vreg.gather [hbm4b:s5+s2], $0x80, v4, vm0, $0xb8;
	[tilespmem:$0x10080] =	vst v63  }
0x25: {  	_ = 	snop  }
0x26: {  	[tilespmem:s31], [sflag:$0x1] =	stream.indirect_vreg.gather [hbm4b:s6+s2], $0x80, v4, vm0, $0xb8;
	[tilespmem:$0x10080] =	vst v63  }
0x27: {  	s1 =	simm.s32 $0x2080  }
0x28: {  	[tilespmem:s1], [sflag:$0x1] =	stream.indirect_vreg.gather [hbm4b:s7+s2], $0x80, v4, vm0, $0xb8;
	[tilespmem:$0x10080] =	vst v63  }
0x29: {  	v3 =	vperm.xlane v3, v2;
	s1 =	simm.s32 $0x2880  }
0x2a: {  	[tilespmem:s1], [sflag:$0x1] =	stream.indirect_vreg.gather [hbm4b:s8+s2], $0x80, v4, vm0, $0xb8;
	[tilespmem:$0x10080] =	vst v63  }
0x2b: {  	v3 =	vadd.s32 v1, v3  }
0x2c: {  	[tilespmem:s14], [sflag:$0x1] =	stream.indirect_vreg.gather [hbm4b:s9+s2], $0x80, v4, vm0, $0xb8;
	[tilespmem:$0x10080] =	vst v63  }
0x2d: {  	_ = 	snop  }
0x2e: {  	[tilespmem:s15], [sflag:$0x1] =	stream.indirect_vreg.gather [hbm4b:s10+s2], $0x80, v4, vm0, $0xb8;
	[tilespmem:$0x10080] =	vst v63  }
0x2f: {  	_ = 	snop  }
0x30: {  	[tilespmem:s16], [sflag:$0x1] =	stream.indirect_vreg.gather [hbm4b:s3+s2], $0x80, v3, vm0, $0xb8;
	[tilespmem:$0x10080] =	vst v63  }
0x31: {  	_ = 	snop  }
0x32: {  	[tilespmem:s17], [sflag:$0x1] =	stream.indirect_vreg.gather [hbm4b:s4+s2], $0x80, v3, vm0, $0xb8;
	[tilespmem:$0x10080] =	vst v63  }
0x33: {  	_ = 	snop  }
0x34: {  	[tilespmem:s18], [sflag:$0x1] =	stream.indirect_vreg.gather [hbm4b:s5+s2], $0x80, v3, vm0, $0xb8;
	[tilespmem:$0x10080] =	vst v63  }
0x35: {  	_ = 	snop  }
0x36: {  	[tilespmem:s19], [sflag:$0x1] =	stream.indirect_vreg.gather [hbm4b:s6+s2], $0x80, v3, vm0, $0xb8;
	[tilespmem:$0x10080] =	vst v63  }
0x37: {  	_ = 	snop  }
0x38: {  	[tilespmem:s20], [sflag:$0x1] =	stream.indirect_vreg.gather [hbm4b:s7+s2], $0x80, v3, vm0, $0xb8;
	[tilespmem:$0x10080] =	vst v63  }
0x39: {  	_ = 	snop  }
0x3a: {  	[tilespmem:s21], [sflag:$0x1] =	stream.indirect_vreg.gather [hbm4b:s8+s2], $0x80, v3, vm0, $0xb8;
	[tilespmem:$0x10080] =	vst v63  }
0x3b: {  	_ = 	snop  }
0x3c: {  	[tilespmem:s22], [sflag:$0x1] =	stream.indirect_vreg.gather [hbm4b:s9+s2], $0x80, v3, vm0, $0xb8;
	[tilespmem:$0x10080] =	vst v63  }
0x3d: {  	_ = 	snop  }
0x3e: {  	[tilespmem:s23], [sflag:$0x1] =	stream.indirect_vreg.gather [hbm4b:s10+s2], $0x80, v3, vm0, $0xb8;
	[tilespmem:$0x10080] =	vst v63  }
0x3f: {  	v3 =	vld [tilespmem:$0x10];
	_ =	sdelay $0x4  }
0x40: {  	v61 =	vshll.u32 v3, $0x4  }
0x41: {  	v3 =	vand.u32 $0x7, v3;
	v4 =	vand.u32 $0xFFFFFF80, v61  }
0x42: {  	v3 =	vor.u32 v3, v4  }
0x43: {  	v4 =	vperm.xlane v3, v0;
	_ =	sdelay $0x1  }
0x44: {  	v4 =	vadd.s32 v1, v4;
	_ =	sdelay $0x4  }
0x45: {  	[tilespmem:s24], [sflag:$0x1] =	stream.indirect_vreg.gather [hbm4b:s3+s2], $0x80, v4, vm0, $0xb8;
	[tilespmem:$0x10080] =	vst v63  }
0x46: {  	_ = 	snop  }
0x47: {  	[tilespmem:s25], [sflag:$0x1] =	stream.indirect_vreg.gather [hbm4b:s4+s2], $0x80, v4, vm0, $0xb8;
	[tilespmem:$0x10080] =	vst v63  }
0x48: {  	_ = 	snop  }
0x49: {  	[tilespmem:s13], [sflag:$0x1] =	stream.indirect_vreg.gather [hbm4b:s5+s2], $0x80, v4, vm0, $0xb8;
	[tilespmem:$0x10080] =	vst v63  }
0x4a: {  	s28 =	simm.s32 $0x9880  }
0x4b: {  	[tilespmem:s28], [sflag:$0x1] =	stream.indirect_vreg.gather [hbm4b:s6+s2], $0x80, v4, vm0, $0xb8;
	[tilespmem:$0x10080] =	vst v63  }
0x4c: {  	s28 =	simm.s32 $0xA080  }
0x4d: {  	[tilespmem:s28], [sflag:$0x1] =	stream.indirect_vreg.gather [hbm4b:s7+s2], $0x80, v4, vm0, $0xb8;
	[tilespmem:$0x10080] =	vst v63  }
0x4e: {  	v3 =	vperm.xlane v3, v2;
	s28 =	simm.s32 $0xA880  }
0x4f: {  	[tilespmem:s28], [sflag:$0x1] =	stream.indirect_vreg.gather [hbm4b:s8+s2], $0x80, v4, vm0, $0xb8;
	[tilespmem:$0x10080] =	vst v63  }
0x50: {  	v3 =	vadd.s32 v1, v3;
	s28 =	simm.s32 $0xB080  }
0x51: {  	[tilespmem:s28], [sflag:$0x1] =	stream.indirect_vreg.gather [hbm4b:s9+s2], $0x80, v4, vm0, $0xb8;
	[tilespmem:$0x10080] =	vst v63  }
0x52: {  	s28 =	simm.s32 $0xB880  }
0x53: {  	[tilespmem:s28], [sflag:$0x1] =	stream.indirect_vreg.gather [hbm4b:s10+s2], $0x80, v4, vm0, $0xb8;
	[tilespmem:$0x10080] =	vst v63  }
0x54: {  	s28 =	simm.s32 $0xC080  }
0x55: {  	[tilespmem:s28], [sflag:$0x1] =	stream.indirect_vreg.gather [hbm4b:s3+s2], $0x80, v3, vm0, $0xb8;
	[tilespmem:$0x10080] =	vst v63  }
0x56: {  	s28 =	simm.s32 $0xC880  }
0x57: {  	[tilespmem:s28], [sflag:$0x1] =	stream.indirect_vreg.gather [hbm4b:s4+s2], $0x80, v3, vm0, $0xb8;
	[tilespmem:$0x10080] =	vst v63  }
0x58: {  	s28 =	simm.s32 $0xD080  }
0x59: {  	[tilespmem:s28], [sflag:$0x1] =	stream.indirect_vreg.gather [hbm4b:s5+s2], $0x80, v3, vm0, $0xb8;
	[tilespmem:$0x10080] =	vst v63  }
0x5a: {  	s28 =	simm.s32 $0xD880  }
0x5b: {  	[tilespmem:s28], [sflag:$0x1] =	stream.indirect_vreg.gather [hbm4b:s6+s2], $0x80, v3, vm0, $0xb8;
	[tilespmem:$0x10080] =	vst v63  }
0x5c: {  	s28 =	simm.s32 $0xE080  }
0x5d: {  	[tilespmem:s28], [sflag:$0x1] =	stream.indirect_vreg.gather [hbm4b:s7+s2], $0x80, v3, vm0, $0xb8;
	[tilespmem:$0x10080] =	vst v63  }
0x5e: {  	s28 =	simm.s32 $0xE880  }
0x5f: {  	[tilespmem:s28], [sflag:$0x1] =	stream.indirect_vreg.gather [hbm4b:s8+s2], $0x80, v3, vm0, $0xb8;
	[tilespmem:$0x10080] =	vst v63  }
0x60: {  	s28 =	simm.s32 $0xF080  }
0x61: {  	[tilespmem:s28], [sflag:$0x1] =	stream.indirect_vreg.gather [hbm4b:s9+s2], $0x80, v3, vm0, $0xb8;
	[tilespmem:$0x10080] =	vst v63  }
0x62: {  	s28 =	simm.s32 $0xF880  }
0x63: {  	[tilespmem:s28], [sflag:$0x1] =	stream.indirect_vreg.gather [hbm4b:s10+s2], $0x80, v3, vm0, $0xb8;
	[tilespmem:$0x10080] =	vst v63  }
0x64: {  	_ =	swait.ge [sflag:s26], $0x10000  }
0x65: {  	[sflag:s26] =	ssyncset.done $0x0  }
0x66: {  	s28 =	rddreg [dreg:$0x4];
	[sflag:s26] =	ssyncadd.s32 $0xFFFF0000  }
0x67: {  	[hbm4b:s28+s2] =	stream.linear.scatter [tilespmem:s0], [sflag:$0x2], $0x10000, $0x38;
	[tilespmem:$0x10080] =	vst v63  }
0x68: {  	_ =	swait.ge [sflag:s12], $0x10000  }
0x69: {  	[sflag:s12] =	ssyncset.done $0x0  }
0x6a: {  	s28 =	rddreg [dreg:$0x5];
	[sflag:s12] =	ssyncadd.s32 $0xFFFF0000  }
0x6b: {  	[tilespmem:s2], [sflag:$0x2] =	stream.linear.gather [hbm4b:s28+s2], $0x20, $0x38;
	[tilespmem:$0x10080] =	vst v63  }
0x6c: {  	_ =	swait.ge [sflag:s12], $0x20  }
0x6d: {  	[sflag:s12] =	ssyncset.done $0x0  }
0x6e: {  	[sflag:s12] =	ssyncadd.s32 $0xFFFFFFE0  }
0x6f: {  	v3 =	vld [tilespmem:$0x0];
	_ =	sdelay $0x4  }
0x70: {  	v62 =	vshll.u32 v3, $0x4  }
0x71: {  	v3 =	vand.u32 $0x7, v3;
	v4 =	vand.u32 $0xFFFFFF80, v62  }
0x72: {  	v3 =	vor.u32 v3, v4  }
0x73: {  	v4 =	vperm.xlane v3, v0;
	_ =	sdelay $0x1  }
0x74: {  	v4 =	vadd.s32 v1, v4;
	_ =	sdelay $0x4  }
0x75: {  	[tilespmem:s0], [sflag:$0x1] =	stream.indirect_vreg.gather [hbm4b:s3+s2], $0x80, v4, vm0, $0xb8;
	[tilespmem:$0x10080] =	vst v63  }
0x76: {  	_ = 	snop  }
0x77: {  	[tilespmem:s29], [sflag:$0x1] =	stream.indirect_vreg.gather [hbm4b:s4+s2], $0x80, v4, vm0, $0xb8;
	[tilespmem:$0x10080] =	vst v63  }
0x78: {  	_ = 	snop  }
0x79: {  	[tilespmem:s30], [sflag:$0x1] =	stream.indirect_vreg.gather [hbm4b:s5+s2], $0x80, v4, vm0, $0xb8;
	[tilespmem:$0x10080] =	vst v63  }
0x7a: {  	_ = 	snop  }
0x7b: {  	[tilespmem:s31], [sflag:$0x1] =	stream.indirect_vreg.gather [hbm4b:s6+s2], $0x80, v4, vm0, $0xb8;
	[tilespmem:$0x10080] =	vst v63  }
0x7c: {  	s28 =	simm.s32 $0x2080  }
0x7d: {  	[tilespmem:s28], [sflag:$0x1] =	stream.indirect_vreg.gather [hbm4b:s7+s2], $0x80, v4, vm0, $0xb8;
	[tilespmem:$0x10080] =	vst v63  }
0x7e: {  	v3 =	vperm.xlane v3, v2  }
0x7f: {  	[tilespmem:s1], [sflag:$0x1] =	stream.indirect_vreg.gather [hbm4b:s8+s2], $0x80, v4, vm0, $0xb8;
	[tilespmem:$0x10080] =	vst v63  }
0x80: {  	v3 =	vadd.s32 v1, v3  }
0x81: {  	[tilespmem:s14], [sflag:$0x1] =	stream.indirect_vreg.gather [hbm4b:s9+s2], $0x80, v4, vm0, $0xb8;
	[tilespmem:$0x10080] =	vst v63  }
0x82: {  	_ = 	snop  }
0x83: {  	[tilespmem:s15], [sflag:$0x1] =	stream.indirect_vreg.gather [hbm4b:s10+s2], $0x80, v4, vm0, $0xb8;
	[tilespmem:$0x10080] =	vst v63  }
0x84: {  	_ = 	snop  }
0x85: {  	[tilespmem:s16], [sflag:$0x1] =	stream.indirect_vreg.gather [hbm4b:s3+s2], $0x80, v3, vm0, $0xb8;
	[tilespmem:$0x10080] =	vst v63  }
0x86: {  	_ = 	snop  }
0x87: {  	[tilespmem:s17], [sflag:$0x1] =	stream.indirect_vreg.gather [hbm4b:s4+s2], $0x80, v3, vm0, $0xb8;
	[tilespmem:$0x10080] =	vst v63  }
0x88: {  	_ = 	snop  }
0x89: {  	[tilespmem:s18], [sflag:$0x1] =	stream.indirect_vreg.gather [hbm4b:s5+s2], $0x80, v3, vm0, $0xb8;
	[tilespmem:$0x10080] =	vst v63  }
0x8a: {  	_ = 	snop  }
0x8b: {  	[tilespmem:s19], [sflag:$0x1] =	stream.indirect_vreg.gather [hbm4b:s6+s2], $0x80, v3, vm0, $0xb8;
	[tilespmem:$0x10080] =	vst v63  }
0x8c: {  	_ = 	snop  }
0x8d: {  	[tilespmem:s20], [sflag:$0x1] =	stream.indirect_vreg.gather [hbm4b:s7+s2], $0x80, v3, vm0, $0xb8;
	[tilespmem:$0x10080] =	vst v63  }
0x8e: {  	_ = 	snop  }
0x8f: {  	[tilespmem:s21], [sflag:$0x1] =	stream.indirect_vreg.gather [hbm4b:s8+s2], $0x80, v3, vm0, $0xb8;
	[tilespmem:$0x10080] =	vst v63  }
0x90: {  	_ = 	snop  }
0x91: {  	[tilespmem:s22], [sflag:$0x1] =	stream.indirect_vreg.gather [hbm4b:s9+s2], $0x80, v3, vm0, $0xb8;
	[tilespmem:$0x10080] =	vst v63  }
0x92: {  	_ = 	snop  }
0x93: {  	[tilespmem:s23], [sflag:$0x1] =	stream.indirect_vreg.gather [hbm4b:s10+s2], $0x80, v3, vm0, $0xb8;
	[tilespmem:$0x10080] =	vst v63  }
0x94: {  	v3 =	vld [tilespmem:$0x10];
	_ =	sdelay $0x4  }
0x95: {  	v63 =	vshll.u32 v3, $0x4  }
0x96: {  	v3 =	vand.u32 $0x7, v3;
	v4 =	vand.u32 $0xFFFFFF80, v63  }
0x97: {  	v3 =	vor.u32 v3, v4  }
0x98: {  	v4 =	vperm.xlane v3, v0;
	_ =	sdelay $0x1  }
0x99: {  	v4 =	vadd.s32 v1, v4;
	_ =	sdelay $0x4  }
0x9a: {  	[tilespmem:s24], [sflag:$0x1] =	stream.indirect_vreg.gather [hbm4b:s3+s2], $0x80, v4, vm0, $0xb8;
	[tilespmem:$0x10080] =	vst v63  }
0x9b: {  	_ = 	snop  }
0x9c: {  	[tilespmem:s25], [sflag:$0x1] =	stream.indirect_vreg.gather [hbm4b:s4+s2], $0x80, v4, vm0, $0xb8;
	[tilespmem:$0x10080] =	vst v63  }
0x9d: {  	_ = 	snop  }
0x9e: {  	[tilespmem:s13], [sflag:$0x1] =	stream.indirect_vreg.gather [hbm4b:s5+s2], $0x80, v4, vm0, $0xb8;
	[tilespmem:$0x10080] =	vst v63  }
0x9f: {  	s28 =	simm.s32 $0x9880  }
0xa0: {  	[tilespmem:s28], [sflag:$0x1] =	stream.indirect_vreg.gather [hbm4b:s6+s2], $0x80, v4, vm0, $0xb8;
	[tilespmem:$0x10080] =	vst v63  }
0xa1: {  	s28 =	simm.s32 $0xA080  }
0xa2: {  	[tilespmem:s28], [sflag:$0x1] =	stream.indirect_vreg.gather [hbm4b:s7+s2], $0x80, v4, vm0, $0xb8;
	[tilespmem:$0x10080] =	vst v63  }
0xa3: {  	v3 =	vperm.xlane v3, v2;
	s28 =	simm.s32 $0xA880  }
0xa4: {  	[tilespmem:s28], [sflag:$0x1] =	stream.indirect_vreg.gather [hbm4b:s8+s2], $0x80, v4, vm0, $0xb8;
	[tilespmem:$0x10080] =	vst v63  }
0xa5: {  	v3 =	vadd.s32 v1, v3;
	s28 =	simm.s32 $0xB080  }
0xa6: {  	[tilespmem:s28], [sflag:$0x1] =	stream.indirect_vreg.gather [hbm4b:s9+s2], $0x80, v4, vm0, $0xb8;
	[tilespmem:$0x10080] =	vst v63  }
0xa7: {  	s28 =	simm.s32 $0xB880  }
0xa8: {  	[tilespmem:s28], [sflag:$0x1] =	stream.indirect_vreg.gather [hbm4b:s10+s2], $0x80, v4, vm0, $0xb8;
	[tilespmem:$0x10080] =	vst v63  }
0xa9: {  	s28 =	simm.s32 $0xC080  }
0xaa: {  	[tilespmem:s28], [sflag:$0x1] =	stream.indirect_vreg.gather [hbm4b:s3+s2], $0x80, v3, vm0, $0xb8;
	[tilespmem:$0x10080] =	vst v63  }
0xab: {  	s28 =	simm.s32 $0xC880  }
0xac: {  	[tilespmem:s28], [sflag:$0x1] =	stream.indirect_vreg.gather [hbm4b:s4+s2], $0x80, v3, vm0, $0xb8;
	[tilespmem:$0x10080] =	vst v63  }
0xad: {  	s28 =	simm.s32 $0xD080  }
0xae: {  	[tilespmem:s28], [sflag:$0x1] =	stream.indirect_vreg.gather [hbm4b:s5+s2], $0x80, v3, vm0, $0xb8;
	[tilespmem:$0x10080] =	vst v63  }
0xaf: {  	s28 =	simm.s32 $0xD880  }
0xb0: {  	[tilespmem:s28], [sflag:$0x1] =	stream.indirect_vreg.gather [hbm4b:s6+s2], $0x80, v3, vm0, $0xb8;
	[tilespmem:$0x10080] =	vst v63  }
0xb1: {  	s28 =	simm.s32 $0xE080  }
0xb2: {  	[tilespmem:s28], [sflag:$0x1] =	stream.indirect_vreg.gather [hbm4b:s7+s2], $0x80, v3, vm0, $0xb8;
	[tilespmem:$0x10080] =	vst v63  }
0xb3: {  	s28 =	simm.s32 $0xE880  }
0xb4: {  	[tilespmem:s28], [sflag:$0x1] =	stream.indirect_vreg.gather [hbm4b:s8+s2], $0x80, v3, vm0, $0xb8;
	[tilespmem:$0x10080] =	vst v63  }
0xb5: {  	s28 =	simm.s32 $0xF080  }
0xb6: {  	[tilespmem:s28], [sflag:$0x1] =	stream.indirect_vreg.gather [hbm4b:s9+s2], $0x80, v3, vm0, $0xb8;
	[tilespmem:$0x10080] =	vst v63  }
0xb7: {  	s28 =	simm.s32 $0xF880  }
0xb8: {  	[tilespmem:s28], [sflag:$0x1] =	stream.indirect_vreg.gather [hbm4b:s10+s2], $0x80, v3, vm0, $0xb8;
	[tilespmem:$0x10080] =	vst v63  }
0xb9: {  	_ =	swait.ge [sflag:s26], $0x10000  }
0xba: {  	p0 =	sne.s32 s11, $0x1;
	[sflag:s26] =	ssyncset.done $0x0  }
.Ltmp0:
0xbb: {  	s1 =	rddreg [dreg:$0x6];
	[sflag:s26] =	ssyncadd.s32 $0xFFFF0000;
	(pc) =	sbr.rel @p0 .LBB2_1-.Ltmp0, $4  }
0xbc: {  	[hbm4b:s1+s2] =	stream.linear.scatter [tilespmem:s0], [sflag:$0x2], $0x10000, $0x38;
	[tilespmem:$0x10080] =	vst v63  }
0xbd: {  	_ =	swait.ge [sflag:s12], $0x10000  }
0xbe: {  	[sflag:s12] =	ssyncset.done $0x0  }
0xbf: {  	s11 =	sadd.s32 $0xFFFFFFFF, s11;
	[sflag:s12] =	ssyncadd.s32 $0xFFFF0000  }
0xc0: {  	_ =	sfence.sel $0x180000  }
0xc1: {  	[bflag:$0x0] =	sbarrier.arrive $0xFFFF  }
0xc2: {  	_ =	strace $0x9000004A  }
0xc3: {  	s0 =	stileid.u32;
	[bflag:$0x2] =	sbarrier.arrive $0xFFFF  }
0xc4: {  	p0 =	sne.s32 s0, $0x0;
	s0 =	rddreg [dreg:$0x2]  }
0xc5: {  	s0 =	sadd.s32 @!p0 $0x100000, s0  }
0xc6: {  	[sflag:s0] =	ssyncadd.tile.s32 @!p0 $0x1;
	_ =	shalt  }
.Lfunc_end2:
_tile_overlayer_lowered:
.L_overlay_start_2:
0xc7: {  	(tag) =	ssettag $0x2  }
0xc8: {  	s0 =	rddreg [dreg:$0x0];
	s2 =	stileid.u32  }
0xc9: {  	s1 =	rddreg [dreg:$0x1];
	p0 =	sne.s32 s2, $0x0  }
0xca: {  	s3 =	rddreg [dreg:$0x2];
	[bflag:$0x3] =	sbarrier.arrive $0xFFFF;
	s2 =	simm.s32 @!p0 $0x1C02  }
0xcb: {  	[timem:s3], [sflag:s2] =	dma.local @!p0 [hbm:s0], s1  }
0xcc: {  	s0 =	simm.s32 @!p0 $0x2  }
0xcd: {  	_ =	swait.ge @!p0 [sflag:s0], s1  }
0xce: {  	s1 =	ssub.s32 @!p0 $0x0, s1;
	[sflag:s0] =	ssyncset.done @!p0 $0x0  }
0xcf: {  	[sflag:s0] =	ssyncadd.s32 @!p0 s1  }
0xd0: {  	[bflag:$0x3] =	sbarrier.arrive $0xFFFF  }
0xd1: {  	_ =	shalt  }

</sc_bundles>
